<compile_context>
chip_gen: v7x
topology: tpu7x:2x2x1
jax: 0.10.2.dev20260603
libtpu: 0.0.44.dev20260713+nightly
codegen_flags: <defaults>
</compile_context>

<pallas_src>
import functools

import jax
import jax.numpy as jnp
from jax import lax
from jax.experimental import pallas as pl
from jax.experimental.pallas import tpu as pltpu
from jax.experimental.pallas import tpu_sc as plsc

_N = 10000
_E = 320000
_NPAD = 10240
_G = _E // 128
_NC = 2
_NS = 16
_NW = _NC * _NS
_GW = _G // _NW
_GMAX = _GW + 1
_NFULL = (_GW // 4) * 4
_ROWS_PER_TILE = _NPAD // _NS
_NBUF = 8

_mesh = plsc.VectorSubcoreMesh(core_axis_name="c", subcore_axis_name="s")


def _fill(ref, n16, value):
    def body(i, carry):
        ref[pl.ds(i * 16, 16)] = jnp.full((16,), value, jnp.float32)
        return carry
    lax.fori_loop(0, n16, body, 0)


def _worker_groups(wid):
    g0 = wid * _GW + jnp.minimum(wid, _G - _GW * _NW)
    ng = _GW + jnp.where(wid < _G - _GW * _NW, 1, 0)
    return g0, ng


def _load_groups(edge_hbm, row, g0, ng, idx, sem):
    def issue(j, carry):
        pltpu.async_copy(
            edge_hbm.at[row, pl.ds((g0 + j) * 128, 128)], idx.at[j], sem)
        return carry
    lax.fori_loop(0, ng, issue, 0)

    def drain(j, carry):
        pltpu.make_async_copy(
            edge_hbm.at[row, pl.ds(g0 * 128, 128)], idx.at[0], sem).wait()
        return carry
    lax.fori_loop(0, ng, drain, 0)


@functools.partial(
    pl.kernel,
    out_type=jax.ShapeDtypeStruct((_NC, _NPAD), jnp.float32),
    mesh=_mesh,
    compiler_params=pltpu.CompilerParams(use_tc_tiling_on_sc=False),
    scratch_types=[
        pltpu.VMEM_SHARED((_NPAD,), jnp.float32),
        pltpu.VMEM((_GMAX, 128), jnp.int32),
        pltpu.VMEM((_ROWS_PER_TILE,), jnp.float32),
        pltpu.VMEM((128,), jnp.float32),
        pltpu.SemaphoreType.DMA,
    ],
)
def _deg_kernel(edge_hbm, out_hbm, deg_sh, didx, zbuf, ones, sem):
    c = lax.axis_index("c")
    s = lax.axis_index("s")
    wid = c * _NS + s
    g0, ng = _worker_groups(wid)
    _load_groups(edge_hbm, 1, g0, ng, didx, sem)
    _fill(zbuf, _ROWS_PER_TILE // 16, 0.0)
    _fill(ones, 128 // 16, 1.0)
    pltpu.sync_copy(zbuf, deg_sh.at[pl.ds(s * _ROWS_PER_TILE, _ROWS_PER_TILE)])
    plsc.subcore_barrier()

    def body(g, carry):
        descs = []
        for k in range(4):
            descs.append(pltpu.async_copy(
                ones, deg_sh.at[didx.at[g * 4 + k]], sem, add=True))
        for d in descs:
            d.wait()
        return carry
    lax.fori_loop(0, _NFULL // 4, body, 0)

    def tail(g, carry):
        pltpu.sync_copy(ones, deg_sh.at[didx.at[g]], add=True)
        return carry
    lax.fori_loop(_NFULL, ng, tail, 0)

    plsc.subcore_barrier()
    pltpu.sync_copy(
        deg_sh.at[pl.ds(s * _ROWS_PER_TILE, _ROWS_PER_TILE)],
        out_hbm.at[c, pl.ds(s * _ROWS_PER_TILE, _ROWS_PER_TILE)],
    )


@functools.partial(
    pl.kernel,
    out_type=jax.ShapeDtypeStruct((_NC, _NPAD, 64), jnp.float32),
    mesh=_mesh,
    compiler_params=pltpu.CompilerParams(use_tc_tiling_on_sc=False),
    scratch_types=[
        pltpu.VMEM_SHARED((_NPAD, 64), jnp.float32),
        pltpu.VMEM((_GMAX, 128), jnp.int32),
        pltpu.VMEM((_GMAX, 128), jnp.int32),
        pltpu.VMEM((_NBUF, 128, 64), jnp.float32),
        pltpu.SemaphoreType.DMA,
        pltpu.SemaphoreType.DMA,
        pltpu.SemaphoreType.DMA,
    ],
)
def _agg_kernel(h2_hbm, edge_hbm, out_hbm, agg_sh, sidx, didx, rows,
                sem_i, sem_g, sem_s):
    c = lax.axis_index("c")
    s = lax.axis_index("s")
    wid = c * _NS + s
    g0, ng = _worker_groups(wid)
    _load_groups(edge_hbm, 0, g0, ng, sidx, sem_i)
    _load_groups(edge_hbm, 1, g0, ng, didx, sem_i)

    def zrow(i, carry):
        r = i // 4
        k = i % 4
        rows[0, r, pl.ds(k * 16, 16)] = jnp.zeros((16,), jnp.float32)
        return carry
    lax.fori_loop(0, 512, zrow, 0)
    for m in range(_ROWS_PER_TILE // 128):
        pltpu.sync_copy(
            rows.at[0], agg_sh.at[pl.ds(s * _ROWS_PER_TILE + m * 128, 128)])
    plsc.subcore_barrier()

    kb = 2
    nbank = _NBUF // kb
    for k in range(nbank * kb):
        pltpu.async_copy(h2_hbm.at[sidx.at[k]], rows.at[k], sem_g)

    def body(hg, carry):
        bank = lax.rem(hg, nbank)
        base = hg * kb
        slot0 = bank * kb
        for k in range(kb):
            pltpu.make_async_copy(
                h2_hbm.at[sidx.at[base + k]], rows.at[slot0 + k], sem_g
            ).wait()
        sd = []
        for k in range(kb):
            sd.append(pltpu.async_copy(
                rows.at[slot0 + k], agg_sh.at[didx.at[base + k]], sem_s,
                add=True))
        for d in sd:
            d.wait()

        @pl.when(hg < _NFULL // kb - nbank)
        def _prefetch():
            nb = base + nbank * kb
            for k in range(kb):
                pltpu.async_copy(
                    h2_hbm.at[sidx.at[nb + k]], rows.at[slot0 + k], sem_g)
        return carry
    lax.fori_loop(0, _NFULL // kb, body, 0)

    def tail(g, carry):
        pltpu.async_copy(h2_hbm.at[sidx.at[g]], rows.at[0], sem_g).wait()
        pltpu.sync_copy(rows.at[0], agg_sh.at[didx.at[g]], add=True)
        return carry
    lax.fori_loop(_NFULL, ng, tail, 0)

    plsc.subcore_barrier()
    pltpu.sync_copy(
        agg_sh.at[pl.ds(s * _ROWS_PER_TILE, _ROWS_PER_TILE)],
        out_hbm.at[c, pl.ds(s * _ROWS_PER_TILE, _ROWS_PER_TILE)],
    )


_BN = 2048


def _h_body(x_ref, w_ref, h_ref):
    h_ref[...] = jnp.dot(x_ref[...], w_ref[...],
                         preferred_element_type=jnp.float32)


def _degcol(dp_ref, i):
    row = (dp_ref[0:1, pl.ds(i * _BN, _BN)]
           + dp_ref[1:2, pl.ds(i * _BN, _BN)] + 1.0)
    return jnp.transpose(row, (1, 0))


def _scale_body(h_ref, dp_ref, h2_ref):
    i = pl.program_id(0)
    h2_ref[...] = h_ref[...] * lax.rsqrt(_degcol(dp_ref, i))


def _tail_body(aggp_ref, h2_ref, dpt_ref, dist_ref, bg_ref, we1_ref, be1_ref,
               we2_ref, be2_ref, woh_ref, woe_ref, bo_ref, out_ref):
    agg = aggp_ref[0] + aggp_ref[1]
    d = lax.rsqrt(_degcol(dpt_ref, pl.program_id(0)))
    gcn = d * (agg + h2_ref[...]) + bg_ref[...]
    enc = jnp.dot(dist_ref[...], we1_ref[...],
                  preferred_element_type=jnp.float32) + be1_ref[...]
    enc = jnp.maximum(enc, 0.0)
    enc = jnp.dot(enc, we2_ref[...],
                  preferred_element_type=jnp.float32) + be2_ref[...]
    o = (jnp.dot(gcn, woh_ref[...], preferred_element_type=jnp.float32)
         + jnp.dot(enc, woe_ref[...], preferred_element_type=jnp.float32)
         + bo_ref[...])
    m = jnp.max(o, axis=1, keepdims=True)
    sh = o - m
    lse = jnp.log(jnp.sum(jnp.exp(sh), axis=1, keepdims=True))
    out_ref[...] = sh - lse


def kernel(x, edge_index, batch, distances, W_gcn, b_gcn, W_enc1, b_enc1,
           W_enc2, b_enc2, W_out, b_out):
    del batch
    deg_p = _deg_kernel(edge_index)
    h = pl.pallas_call(
        _h_body,
        grid=(_NPAD // _BN,),
        in_specs=[
            pl.BlockSpec((_BN, 128), lambda i: (i, 0)),
            pl.BlockSpec((128, 64), lambda i: (0, 0)),
        ],
        out_specs=pl.BlockSpec((_BN, 64), lambda i: (i, 0)),
        out_shape=jax.ShapeDtypeStruct((_NPAD, 64), jnp.float32),
    )(x, W_gcn)

    h2 = pl.pallas_call(
        _scale_body,
        grid=(_NPAD // _BN,),
        in_specs=[
            pl.BlockSpec((_BN, 64), lambda i: (i, 0)),
            pl.BlockSpec((_NC, _NPAD), lambda i: (0, 0)),
        ],
        out_specs=pl.BlockSpec((_BN, 64), lambda i: (i, 0)),
        out_shape=jax.ShapeDtypeStruct((_NPAD, 64), jnp.float32),
    )(h, deg_p)

    aggp = _agg_kernel(h2, edge_index)

    out = pl.pallas_call(
        _tail_body,
        grid=(_NPAD // _BN,),
        in_specs=[
            pl.BlockSpec((_NC, _BN, 64), lambda i: (0, i, 0)),
            pl.BlockSpec((_BN, 64), lambda i: (i, 0)),
            pl.BlockSpec((_NC, _NPAD), lambda i: (0, 0)),
            pl.BlockSpec((_BN, 2), lambda i: (i, 0)),
            pl.BlockSpec((1, 64), lambda i: (0, 0)),
            pl.BlockSpec((2, 32), lambda i: (0, 0)),
            pl.BlockSpec((1, 32), lambda i: (0, 0)),
            pl.BlockSpec((32, 32), lambda i: (0, 0)),
            pl.BlockSpec((1, 32), lambda i: (0, 0)),
            pl.BlockSpec((64, 16), lambda i: (0, 0)),
            pl.BlockSpec((32, 16), lambda i: (0, 0)),
            pl.BlockSpec((1, 16), lambda i: (0, 0)),
        ],
        out_specs=pl.BlockSpec((_BN, 16), lambda i: (i, 0)),
        out_shape=jax.ShapeDtypeStruct((_N, 16), jnp.float32),
    )(aggp, h2, deg_p, distances, b_gcn.reshape(1, 64), W_enc1,
      b_enc1.reshape(1, 32), W_enc2, b_enc2.reshape(1, 32), W_out[:64],
      W_out[64:], b_out.reshape(1, 16))

    return out

# --- scband reference (transcript-rebuilt; emitter-appended) ---
"""Pipeline reference for scband-gcnwith-distance-encoding-59648505807026 (READ-ONLY COPY).

The authoritative reference and input builder live on the scoring server;
editing this copy changes nothing except your own understanding.
"""

import jax, jax.numpy as jnp
import numpy as np

N = 10000
E = 320000
INPUT_DIM = 128
HIDDEN_DIM = 64
ENC_DIM = 32
OUT_DIM = 16


def _glorot(key, shape):
    fan_in, fan_out = shape[0], shape[1]
    limit = (6.0 / (fan_in + fan_out)) ** 0.5
    return jax.random.uniform(key, shape, minval=-limit, maxval=limit, dtype=jnp.float32)


def setup_inputs(seed: int = 0) -> dict:
    key = jax.random.key(seed)
    ks = jax.random.split(key, 12)
    x = jax.random.normal(ks[0], (N, INPUT_DIM), dtype=jnp.float32)
    edge_index = jax.random.randint(ks[1], (2, E), 0, N, dtype=jnp.int32)
    batch = jnp.zeros((N,), dtype=jnp.int32)
    distances = jax.random.normal(ks[2], (N, 2), dtype=jnp.float32)
    # GCNConv params
    W_gcn = _glorot(ks[3], (INPUT_DIM, HIDDEN_DIM))
    b_gcn = jnp.zeros((HIDDEN_DIM,), dtype=jnp.float32)
    # DistanceEncodingModule params: Linear(2, 32) -> ReLU -> Linear(32, 32)
    W_enc1 = _glorot(ks[4], (2, ENC_DIM))
    b_enc1 = jnp.zeros((ENC_DIM,), dtype=jnp.float32)
    W_enc2 = _glorot(ks[5], (ENC_DIM, ENC_DIM))
    b_enc2 = jnp.zeros((ENC_DIM,), dtype=jnp.float32)
    # readout: Linear(hidden+encoding, out)
    W_out = _glorot(ks[6], (HIDDEN_DIM + ENC_DIM, OUT_DIM))
    b_out = jnp.zeros((OUT_DIM,), dtype=jnp.float32)
    return {
        "x": x, "edge_index": edge_index, "batch": batch, "distances": distances,
        "W_gcn": W_gcn, "b_gcn": b_gcn,
        "W_enc1": W_enc1, "b_enc1": b_enc1, "W_enc2": W_enc2, "b_enc2": b_enc2,
        "W_out": W_out, "b_out": b_out,
    }


def _gcn_conv(x, edge_index, W, b, num_nodes):
    # PyG GCNConv: add self-loops, symmetric normalization, linear transform, scatter-add aggregate.
    src = edge_index[0]
    dst = edge_index[1]
    loop = jnp.arange(num_nodes, dtype=src.dtype)
    src = jnp.concatenate([src, loop])
    dst = jnp.concatenate([dst, loop])
    deg = jnp.zeros((num_nodes,), dtype=x.dtype).at[dst].add(1.0)
    deg_inv_sqrt = jnp.where(deg > 0, deg ** -0.5, 0.0)
    norm = deg_inv_sqrt[src] * deg_inv_sqrt[dst]
    h = x @ W
    msg = h[src] * norm[:, None]
    out = jnp.zeros((num_nodes, W.shape[1]), dtype=x.dtype).at[dst].add(msg)
    return out + b


def reference(x, edge_index, batch, distances, W_gcn, b_gcn, W_enc1, b_enc1, W_enc2, b_enc2, W_out, b_out):
    h = _gcn_conv(x, edge_index, W_gcn, b_gcn, N)
    enc = distances @ W_enc1 + b_enc1
    enc = jax.nn.relu(enc)
    enc = enc @ W_enc2 + b_enc2
    cat = jnp.concatenate([h, enc], axis=1)
    out = cat @ W_out + b_out
    return jax.nn.log_softmax(out, axis=1)

if __name__ == "__main__":
    import jax
    _d = setup_inputs()
    print(jax.jit(kernel)(*tuple(_d.values())))

</pallas_src>

<mosaic_0001>
#map = affine_map<(d0, d1) -> (0, 0)>
module attributes {stable_mosaic.version = 14 : i64} {
  func.func @_deg_kernel(%arg0: i32, %arg1: i32, %arg2: memref<2x320000xi32, #tpu.memory_space<hbm>>, %arg3: memref<2x10240xf32, #tpu.memory_space<hbm>>, %arg4: memref<10240xf32, #tpu.memory_space<vmem_shared>>, %arg5: memref<79x128xi32, #tpu.memory_space<vmem>>, %arg6: memref<640xf32, #tpu.memory_space<vmem>>, %arg7: memref<128xf32, #tpu.memory_space<vmem>>, %arg8: memref<!tpu.dma_semaphore, #tpu.memory_space<semaphore_mem>>) attributes {dimension_semantics = [#tpu.dimension_semantics<core_parallel>, #tpu.dimension_semantics<subcore_parallel>], iteration_bounds = array<i64: 2, 16>, scalar_prefetch = 0 : i64, scratch_operands = 5 : i64, tpu.core_type = #tpu.core_type<sc_vector_subcore>, window_params = [{transform_indices = #map}, {transform_indices = #map}]} {
    %mul3A = arith.constant 16 : i32
    %mul3A_0 = arith.muli %arg0, %mul3A : i32
    %add3A = arith.addi %mul3A_0, %arg1 : i32
    %mul3A_1 = arith.constant 78 : i32
    %mul3A_2 = arith.muli %add3A, %mul3A_1 : i32
    %min3A = arith.constant 4 : i32
    %min3A_3 = arith.minsi %add3A, %min3A : i32
    %add3A_4 = arith.addi %mul3A_2, %min3A_3 : i32
    %lt3A = arith.constant 4 : i32
    %lt3A_5 = arith.cmpi slt, %add3A, %lt3A : i32
    %jit3A = arith.constant 1 : i32
    %jit3A_6 = arith.constant 0 : i32
    %select_n3A = arith.select %lt3A_5, %jit3A, %jit3A_6 : i32
    %add3A_7 = arith.constant 78 : i32
    %add3A_8 = arith.addi %add3A_7, %select_n3A : i32
    %while3A = arith.constant 0 : i32
    %while3A_9 = arith.constant 0 : i32
    %while3A_10 = arith.subi %add3A_8, %while3A_9 : i32
    %while3A_11 = arith.addi %while3A_9, %while3A_10 : i32
    %while3A_12 = arith.constant 1 : i32
    %while3A_13 = arith.divsi %while3A_10, %while3A_12 : i32
    %while3A_14 = arith.muli %while3A_13, %while3A_12 : i32
    %while3A_15 = arith.addi %while3A_9, %while3A_14 : i32
    %while3A_16 = arith.constant 1 : i32
    scf.for %while3A_62 = %while3A_9 to %while3A_15 step %while3A_16  : i32 {
      %add3A_63 = arith.addi %add3A_4, %while3A_62 : i32
      %mul3A_64 = arith.constant 128 : i32
      %mul3A_65 = arith.muli %add3A_63, %mul3A_64 : i32
      %dma_start3A = arith.constant 1 : i32
      %dma_start3A_66 = arith.constant 0 : i32
      %dma_start3A_67 = tpu.memref_slice %arg5[%while3A_62, %dma_start3A_66] : memref<79x128xi32, #tpu.memory_space<vmem>> -> memref<1x128xi32, #tpu.memory_space<vmem>>
      %dma_start3A_68 = tpu.memref_squeeze %dma_start3A_67 : memref<1x128xi32, #tpu.memory_space<vmem>> -> memref<128xi32, #tpu.memory_space<vmem>>
      %dma_start3A_69 = tpu.memref_slice %arg2[%dma_start3A, %mul3A_65] : memref<2x320000xi32, #tpu.memory_space<hbm>> -> memref<1x128xi32, #tpu.memory_space<hbm>>
      %dma_start3A_70 = tpu.memref_squeeze %dma_start3A_69 : memref<1x128xi32, #tpu.memory_space<hbm>> -> memref<128xi32, #tpu.memory_space<hbm>>
      %dma_start3A_71 = arith.constant 0 : i32
      %dma_start3A_72 = tpu.memref_slice %arg5[%while3A_62, %dma_start3A_71] : memref<79x128xi32, #tpu.memory_space<vmem>> -> memref<1x128xi32, #tpu.memory_space<vmem>>
      %dma_start3A_73 = tpu.memref_squeeze %dma_start3A_72 : memref<1x128xi32, #tpu.memory_space<vmem>> -> memref<128xi32, #tpu.memory_space<vmem>>
      %dma_start3A_74 = tpu.memref_slice %arg2[%dma_start3A, %mul3A_65] : memref<2x320000xi32, #tpu.memory_space<hbm>> -> memref<1x128xi32, #tpu.memory_space<hbm>>
      %dma_start3A_75 = tpu.memref_squeeze %dma_start3A_74 : memref<1x128xi32, #tpu.memory_space<hbm>> -> memref<128xi32, #tpu.memory_space<hbm>>
      tpu.enqueue_dma source(%dma_start3A_75 : memref<128xi32, #tpu.memory_space<hbm>>) target(%dma_start3A_73 : memref<128xi32, #tpu.memory_space<vmem>>) target_semaphore(%arg8 : memref<!tpu.dma_semaphore, #tpu.memory_space<semaphore_mem>>)
    }
    %while3A_17 = arith.constant 1 : i32
    scf.for %while3A_62 = %while3A_15 to %while3A_11 step %while3A_17  : i32 {
      %add3A_63 = arith.addi %add3A_4, %while3A_62 : i32
      %mul3A_64 = arith.constant 128 : i32
      %mul3A_65 = arith.muli %add3A_63, %mul3A_64 : i32
      %dma_start3A = arith.constant 1 : i32
      %dma_start3A_66 = arith.constant 0 : i32
      %dma_start3A_67 = tpu.memref_slice %arg5[%while3A_62, %dma_start3A_66] : memref<79x128xi32, #tpu.memory_space<vmem>> -> memref<1x128xi32, #tpu.memory_space<vmem>>
      %dma_start3A_68 = tpu.memref_squeeze %dma_start3A_67 : memref<1x128xi32, #tpu.memory_space<vmem>> -> memref<128xi32, #tpu.memory_space<vmem>>
      %dma_start3A_69 = tpu.memref_slice %arg2[%dma_start3A, %mul3A_65] : memref<2x320000xi32, #tpu.memory_space<hbm>> -> memref<1x128xi32, #tpu.memory_space<hbm>>
      %dma_start3A_70 = tpu.memref_squeeze %dma_start3A_69 : memref<1x128xi32, #tpu.memory_space<hbm>> -> memref<128xi32, #tpu.memory_space<hbm>>
      %dma_start3A_71 = arith.constant 0 : i32
      %dma_start3A_72 = tpu.memref_slice %arg5[%while3A_62, %dma_start3A_71] : memref<79x128xi32, #tpu.memory_space<vmem>> -> memref<1x128xi32, #tpu.memory_space<vmem>>
      %dma_start3A_73 = tpu.memref_squeeze %dma_start3A_72 : memref<1x128xi32, #tpu.memory_space<vmem>> -> memref<128xi32, #tpu.memory_space<vmem>>
      %dma_start3A_74 = tpu.memref_slice %arg2[%dma_start3A, %mul3A_65] : memref<2x320000xi32, #tpu.memory_space<hbm>> -> memref<1x128xi32, #tpu.memory_space<hbm>>
      %dma_start3A_75 = tpu.memref_squeeze %dma_start3A_74 : memref<1x128xi32, #tpu.memory_space<hbm>> -> memref<128xi32, #tpu.memory_space<hbm>>
      tpu.enqueue_dma source(%dma_start3A_75 : memref<128xi32, #tpu.memory_space<hbm>>) target(%dma_start3A_73 : memref<128xi32, #tpu.memory_space<vmem>>) target_semaphore(%arg8 : memref<!tpu.dma_semaphore, #tpu.memory_space<semaphore_mem>>)
    }
    %while3A_18 = arith.constant 0 : i32
    %while3A_19 = arith.constant 0 : i32
    %while3A_20 = arith.subi %add3A_8, %while3A_19 : i32
    %while3A_21 = arith.addi %while3A_19, %while3A_20 : i32
    %while3A_22 = arith.constant 1 : i32
    %while3A_23 = arith.divsi %while3A_20, %while3A_22 : i32
    %while3A_24 = arith.muli %while3A_23, %while3A_22 : i32
    %while3A_25 = arith.addi %while3A_19, %while3A_24 : i32
    %while3A_26 = arith.constant 1 : i32
    scf.for %while3A_62 = %while3A_19 to %while3A_25 step %while3A_26  : i32 {
      %mul3A_63 = arith.constant 128 : i32
      %mul3A_64 = arith.muli %add3A_4, %mul3A_63 : i32
      %dma_wait3A = arith.constant 1 : i32
      %dma_wait3A_65 = arith.constant 0 : i32
      %dma_wait3A_66 = arith.constant 0 : i32
      %dma_wait3A_67 = tpu.memref_slice %arg5[%dma_wait3A_65, %dma_wait3A_66] : memref<79x128xi32, #tpu.memory_space<vmem>> -> memref<1x128xi32, #tpu.memory_space<vmem>>
      %dma_wait3A_68 = tpu.memref_squeeze %dma_wait3A_67 : memref<1x128xi32, #tpu.memory_space<vmem>> -> memref<128xi32, #tpu.memory_space<vmem>>
      %dma_wait3A_69 = tpu.memref_slice %arg2[%dma_wait3A, %mul3A_64] : memref<2x320000xi32, #tpu.memory_space<hbm>> -> memref<1x128xi32, #tpu.memory_space<hbm>>
      %dma_wait3A_70 = tpu.memref_squeeze %dma_wait3A_69 : memref<1x128xi32, #tpu.memory_space<hbm>> -> memref<128xi32, #tpu.memory_space<hbm>>
      %dma_wait3A_71 = arith.constant 0 : i32
      %dma_wait3A_72 = tpu.memref_slice %arg5[%dma_wait3A_65, %dma_wait3A_71] : memref<79x128xi32, #tpu.memory_space<vmem>> -> memref<1x128xi32, #tpu.memory_space<vmem>>
      %dma_wait3A_73 = tpu.memref_squeeze %dma_wait3A_72 : memref<1x128xi32, #tpu.memory_space<vmem>> -> memref<128xi32, #tpu.memory_space<vmem>>
      %dma_wait3A_74 = tpu.memref_slice %arg2[%dma_wait3A, %mul3A_64] : memref<2x320000xi32, #tpu.memory_space<hbm>> -> memref<1x128xi32, #tpu.memory_space<hbm>>
      %dma_wait3A_75 = tpu.memref_squeeze %dma_wait3A_74 : memref<1x128xi32, #tpu.memory_space<hbm>> -> memref<128xi32, #tpu.memory_space<hbm>>
      tpu.wait_dma2 semaphore(%arg8 : memref<!tpu.dma_semaphore, #tpu.memory_space<semaphore_mem>>) src(%dma_wait3A_75 : memref<128xi32, #tpu.memory_space<hbm>>) dst(%dma_wait3A_73 : memref<128xi32, #tpu.memory_space<vmem>>)
    }
    %while3A_27 = arith.constant 1 : i32
    scf.for %while3A_62 = %while3A_25 to %while3A_21 step %while3A_27  : i32 {
      %mul3A_63 = arith.constant 128 : i32
      %mul3A_64 = arith.muli %add3A_4, %mul3A_63 : i32
      %dma_wait3A = arith.constant 1 : i32
      %dma_wait3A_65 = arith.constant 0 : i32
      %dma_wait3A_66 = arith.constant 0 : i32
      %dma_wait3A_67 = tpu.memref_slice %arg5[%dma_wait3A_65, %dma_wait3A_66] : memref<79x128xi32, #tpu.memory_space<vmem>> -> memref<1x128xi32, #tpu.memory_space<vmem>>
      %dma_wait3A_68 = tpu.memref_squeeze %dma_wait3A_67 : memref<1x128xi32, #tpu.memory_space<vmem>> -> memref<128xi32, #tpu.memory_space<vmem>>
      %dma_wait3A_69 = tpu.memref_slice %arg2[%dma_wait3A, %mul3A_64] : memref<2x320000xi32, #tpu.memory_space<hbm>> -> memref<1x128xi32, #tpu.memory_space<hbm>>
      %dma_wait3A_70 = tpu.memref_squeeze %dma_wait3A_69 : memref<1x128xi32, #tpu.memory_space<hbm>> -> memref<128xi32, #tpu.memory_space<hbm>>
      %dma_wait3A_71 = arith.constant 0 : i32
      %dma_wait3A_72 = tpu.memref_slice %arg5[%dma_wait3A_65, %dma_wait3A_71] : memref<79x128xi32, #tpu.memory_space<vmem>> -> memref<1x128xi32, #tpu.memory_space<vmem>>
      %dma_wait3A_73 = tpu.memref_squeeze %dma_wait3A_72 : memref<1x128xi32, #tpu.memory_space<vmem>> -> memref<128xi32, #tpu.memory_space<vmem>>
      %dma_wait3A_74 = tpu.memref_slice %arg2[%dma_wait3A, %mul3A_64] : memref<2x320000xi32, #tpu.memory_space<hbm>> -> memref<1x128xi32, #tpu.memory_space<hbm>>
      %dma_wait3A_75 = tpu.memref_squeeze %dma_wait3A_74 : memref<1x128xi32, #tpu.memory_space<hbm>> -> memref<128xi32, #tpu.memory_space<hbm>>
      tpu.wait_dma2 semaphore(%arg8 : memref<!tpu.dma_semaphore, #tpu.memory_space<semaphore_mem>>) src(%dma_wait3A_75 : memref<128xi32, #tpu.memory_space<hbm>>) dst(%dma_wait3A_73 : memref<128xi32, #tpu.memory_space<vmem>>)
    }
    %scan3A = arith.constant 0 : i32
    %scan3A_28 = arith.constant 0 : i32
    %scan3A_29 = arith.constant 40 : i32
    %scan3A_30 = arith.addi %scan3A_28, %scan3A_29 : i32
    %scan3A_31 = arith.constant 1 : i32
    scf.for %scan3A_62 = %scan3A_28 to %scan3A_30 step %scan3A_31  : i32 {
      %broadcast_in_dim3A = arith.constant 0.000000e+00 : f32
      %broadcast_in_dim3A_63 = vector.broadcast %broadcast_in_dim3A : f32 to vector<16xf32>
      %mul3A_64 = arith.constant 16 : i32
      %mul3A_65 = arith.muli %scan3A_62, %mul3A_64 : i32
      %swap3A = arith.index_cast %mul3A_65 : i32 to index
      %swap3A_66 = tpu.vector_load %arg6[%swap3A] {strides = array<i32>} : memref<640xf32, #tpu.memory_space<vmem>>, vector<16xf32>,
      %swap3A_67 = vector.shape_cast %swap3A_66 : vector<16xf32> to vector<16xf32>
      %swap3A_68 = vector.shape_cast %broadcast_in_dim3A_63 : vector<16xf32> to vector<16xf32>
      tpu.vector_store %arg6[%swap3A], %swap3A_68 {strides = array<i32>} : memref<640xf32, #tpu.memory_space<vmem>>, vector<16xf32>,
    }
    %scan3A_32 = arith.constant 40 : i32
    %scan3A_33 = arith.constant 0 : i32
    %scan3A_34 = arith.constant 0 : i32
    %scan3A_35 = arith.constant 8 : i32
    %scan3A_36 = arith.addi %scan3A_34, %scan3A_35 : i32
    %scan3A_37 = arith.constant 1 : i32
    scf.for %scan3A_62 = %scan3A_34 to %scan3A_36 step %scan3A_37  : i32 {
      %broadcast_in_dim3A = arith.constant 1.000000e+00 : f32
      %broadcast_in_dim3A_63 = vector.broadcast %broadcast_in_dim3A : f32 to vector<16xf32>
      %mul3A_64 = arith.constant 16 : i32
      %mul3A_65 = arith.muli %scan3A_62, %mul3A_64 : i32
      %swap3A = arith.index_cast %mul3A_65 : i32 to index
      %swap3A_66 = tpu.vector_load %arg7[%swap3A] {strides = array<i32>} : memref<128xf32, #tpu.memory_space<vmem>>, vector<16xf32>,
      %swap3A_67 = vector.shape_cast %swap3A_66 : vector<16xf32> to vector<16xf32>
      %swap3A_68 = vector.shape_cast %broadcast_in_dim3A_63 : vector<16xf32> to vector<16xf32>
      tpu.vector_store %arg7[%swap3A], %swap3A_68 {strides = array<i32>} : memref<128xf32, #tpu.memory_space<vmem>>, vector<16xf32>,
    }
    %scan3A_38 = arith.constant 8 : i32
    %mul3A_39 = arith.constant 640 : i32
    %mul3A_40 = arith.muli %arg1, %mul3A_39 : i32
    "tpu.region"() ({
      %run_scoped3A = tpu.sem_alloc : memref<!tpu.dma_semaphore, #tpu.memory_space<semaphore_mem>>
      %dma_start3A = tpu.memref_slice %arg4[%mul3A_40] : memref<10240xf32, #tpu.memory_space<vmem_shared>> -> memref<640xf32, #tpu.memory_space<vmem_shared>>
      %dma_start3A_62 = tpu.memref_slice %arg4[%mul3A_40] : memref<10240xf32, #tpu.memory_space<vmem_shared>> -> memref<640xf32, #tpu.memory_space<vmem_shared>>
      tpu.enqueue_dma source(%arg6 : memref<640xf32, #tpu.memory_space<vmem>>) target(%dma_start3A_62 : memref<640xf32, #tpu.memory_space<vmem_shared>>) target_semaphore(%run_scoped3A : memref<!tpu.dma_semaphore, #tpu.memory_space<semaphore_mem>>)
      %dma_wait3A = tpu.memref_slice %arg4[%mul3A_40] : memref<10240xf32, #tpu.memory_space<vmem_shared>> -> memref<640xf32, #tpu.memory_space<vmem_shared>>
      %dma_wait3A_63 = tpu.memref_slice %arg4[%mul3A_40] : memref<10240xf32, #tpu.memory_space<vmem_shared>> -> memref<640xf32, #tpu.memory_space<vmem_shared>>
      tpu.wait_dma2 semaphore(%run_scoped3A : memref<!tpu.dma_semaphore, #tpu.memory_space<semaphore_mem>>) src(%arg6 : memref<640xf32, #tpu.memory_space<vmem>>) dst(%dma_wait3A_63 : memref<640xf32, #tpu.memory_space<vmem_shared>>)
      tpu.yield
    }) : () -> ()
    %barrier3A = arith.constant 0 : index
    tpu.barrier barrier_id(%barrier3A)
    %scan3A_41 = arith.constant 0 : i32
    %scan3A_42 = arith.constant 0 : i32
    %scan3A_43 = arith.constant 19 : i32
    %scan3A_44 = arith.addi %scan3A_42, %scan3A_43 : i32
    %scan3A_45 = arith.constant 1 : i32
    scf.for %scan3A_62 = %scan3A_42 to %scan3A_44 step %scan3A_45  : i32 {
      %mul3A_63 = arith.constant 4 : i32
      %mul3A_64 = arith.muli %scan3A_62, %mul3A_63 : i32
      %add3A_65 = arith.constant 0 : i32
      %add3A_66 = arith.addi %mul3A_64, %add3A_65 : i32
      %dma_start3A = arith.constant 0 : i32
      %dma_start3A_67 = tpu.memref_slice %arg5[%add3A_66, %dma_start3A] : memref<79x128xi32, #tpu.memory_space<vmem>> -> memref<1x128xi32, #tpu.memory_space<vmem>>
      %dma_start3A_68 = tpu.memref_squeeze %dma_start3A_67 : memref<1x128xi32, #tpu.memory_space<vmem>> -> memref<128xi32, #tpu.memory_space<vmem>>
      %dma_start3A_69 = arith.constant 0 : i32
      %dma_start3A_70 = tpu.memref_slice %arg4[%dma_start3A_69] : memref<10240xf32, #tpu.memory_space<vmem_shared>> -> memref<10240xf32, #tpu.memory_space<vmem_shared>>
      tpu.enqueue_indirect_dma source(%arg7 : memref<128xf32, #tpu.memory_space<vmem>>) target(%dma_start3A_70 : memref<10240xf32, #tpu.memory_space<vmem_shared>>) offsets(%dma_start3A_68 : memref<128xi32, #tpu.memory_space<vmem>>) semaphore(%arg8 : memref<!tpu.dma_semaphore, #tpu.memory_space<semaphore_mem>>) {add = true}
      %mul3A_71 = arith.constant 4 : i32
      %mul3A_72 = arith.muli %scan3A_62, %mul3A_71 : i32
      %add3A_73 = arith.constant 1 : i32
      %add3A_74 = arith.addi %mul3A_72, %add3A_73 : i32
      %dma_start3A_75 = arith.constant 0 : i32
      %dma_start3A_76 = tpu.memref_slice %arg5[%add3A_74, %dma_start3A_75] : memref<79x128xi32, #tpu.memory_space<vmem>> -> memref<1x128xi32, #tpu.memory_space<vmem>>
      %dma_start3A_77 = tpu.memref_squeeze %dma_start3A_76 : memref<1x128xi32, #tpu.memory_space<vmem>> -> memref<128xi32, #tpu.memory_space<vmem>>
      %dma_start3A_78 = arith.constant 0 : i32
      %dma_start3A_79 = tpu.memref_slice %arg4[%dma_start3A_78] : memref<10240xf32, #tpu.memory_space<vmem_shared>> -> memref<10240xf32, #tpu.memory_space<vmem_shared>>
      tpu.enqueue_indirect_dma source(%arg7 : memref<128xf32, #tpu.memory_space<vmem>>) target(%dma_start3A_79 : memref<10240xf32, #tpu.memory_space<vmem_shared>>) offsets(%dma_start3A_77 : memref<128xi32, #tpu.memory_space<vmem>>) semaphore(%arg8 : memref<!tpu.dma_semaphore, #tpu.memory_space<semaphore_mem>>) {add = true}
      %mul3A_80 = arith.constant 4 : i32
      %mul3A_81 = arith.muli %scan3A_62, %mul3A_80 : i32
      %add3A_82 = arith.constant 2 : i32
      %add3A_83 = arith.addi %mul3A_81, %add3A_82 : i32
      %dma_start3A_84 = arith.constant 0 : i32
      %dma_start3A_85 = tpu.memref_slice %arg5[%add3A_83, %dma_start3A_84] : memref<79x128xi32, #tpu.memory_space<vmem>> -> memref<1x128xi32, #tpu.memory_space<vmem>>
      %dma_start3A_86 = tpu.memref_squeeze %dma_start3A_85 : memref<1x128xi32, #tpu.memory_space<vmem>> -> memref<128xi32, #tpu.memory_space<vmem>>
      %dma_start3A_87 = arith.constant 0 : i32
      %dma_start3A_88 = tpu.memref_slice %arg4[%dma_start3A_87] : memref<10240xf32, #tpu.memory_space<vmem_shared>> -> memref<10240xf32, #tpu.memory_space<vmem_shared>>
      tpu.enqueue_indirect_dma source(%arg7 : memref<128xf32, #tpu.memory_space<vmem>>) target(%dma_start3A_88 : memref<10240xf32, #tpu.memory_space<vmem_shared>>) offsets(%dma_start3A_86 : memref<128xi32, #tpu.memory_space<vmem>>) semaphore(%arg8 : memref<!tpu.dma_semaphore, #tpu.memory_space<semaphore_mem>>) {add = true}
      %mul3A_89 = arith.constant 4 : i32
      %mul3A_90 = arith.muli %scan3A_62, %mul3A_89 : i32
      %add3A_91 = arith.constant 3 : i32
      %add3A_92 = arith.addi %mul3A_90, %add3A_91 : i32
      %dma_start3A_93 = arith.constant 0 : i32
      %dma_start3A_94 = tpu.memref_slice %arg5[%add3A_92, %dma_start3A_93] : memref<79x128xi32, #tpu.memory_space<vmem>> -> memref<1x128xi32, #tpu.memory_space<vmem>>
      %dma_start3A_95 = tpu.memref_squeeze %dma_start3A_94 : memref<1x128xi32, #tpu.memory_space<vmem>> -> memref<128xi32, #tpu.memory_space<vmem>>
      %dma_start3A_96 = arith.constant 0 : i32
      %dma_start3A_97 = tpu.memref_slice %arg4[%dma_start3A_96] : memref<10240xf32, #tpu.memory_space<vmem_shared>> -> memref<10240xf32, #tpu.memory_space<vmem_shared>>
      tpu.enqueue_indirect_dma source(%arg7 : memref<128xf32, #tpu.memory_space<vmem>>) target(%dma_start3A_97 : memref<10240xf32, #tpu.memory_space<vmem_shared>>) offsets(%dma_start3A_95 : memref<128xi32, #tpu.memory_space<vmem>>) semaphore(%arg8 : memref<!tpu.dma_semaphore, #tpu.memory_space<semaphore_mem>>) {add = true}
      %dma_wait3A = arith.constant 0 : i32
      %dma_wait3A_98 = tpu.memref_slice %arg5[%add3A_66, %dma_wait3A] : memref<79x128xi32, #tpu.memory_space<vmem>> -> memref<1x128xi32, #tpu.memory_space<vmem>>
      %dma_wait3A_99 = tpu.memref_squeeze %dma_wait3A_98 : memref<1x128xi32, #tpu.memory_space<vmem>> -> memref<128xi32, #tpu.memory_space<vmem>>
      %dma_wait3A_100 = arith.constant 0 : i32
      %dma_wait3A_101 = tpu.memref_slice %arg4[%dma_wait3A_100] : memref<10240xf32, #tpu.memory_space<vmem_shared>> -> memref<10240xf32, #tpu.memory_space<vmem_shared>>
      tpu.wait_indirect_dma semaphore(%arg8 : memref<!tpu.dma_semaphore, #tpu.memory_space<semaphore_mem>>) src(%arg7 : memref<128xf32, #tpu.memory_space<vmem>>) dst(%dma_wait3A_101 : memref<10240xf32, #tpu.memory_space<vmem_shared>>)
      %dma_wait3A_102 = arith.constant 0 : i32
      %dma_wait3A_103 = tpu.memref_slice %arg5[%add3A_74, %dma_wait3A_102] : memref<79x128xi32, #tpu.memory_space<vmem>> -> memref<1x128xi32, #tpu.memory_space<vmem>>
      %dma_wait3A_104 = tpu.memref_squeeze %dma_wait3A_103 : memref<1x128xi32, #tpu.memory_space<vmem>> -> memref<128xi32, #tpu.memory_space<vmem>>
      %dma_wait3A_105 = arith.constant 0 : i32
      %dma_wait3A_106 = tpu.memref_slice %arg4[%dma_wait3A_105] : memref<10240xf32, #tpu.memory_space<vmem_shared>> -> memref<10240xf32, #tpu.memory_space<vmem_shared>>
      tpu.wait_indirect_dma semaphore(%arg8 : memref<!tpu.dma_semaphore, #tpu.memory_space<semaphore_mem>>) src(%arg7 : memref<128xf32, #tpu.memory_space<vmem>>) dst(%dma_wait3A_106 : memref<10240xf32, #tpu.memory_space<vmem_shared>>)
      %dma_wait3A_107 = arith.constant 0 : i32
      %dma_wait3A_108 = tpu.memref_slice %arg5[%add3A_83, %dma_wait3A_107] : memref<79x128xi32, #tpu.memory_space<vmem>> -> memref<1x128xi32, #tpu.memory_space<vmem>>
      %dma_wait3A_109 = tpu.memref_squeeze %dma_wait3A_108 : memref<1x128xi32, #tpu.memory_space<vmem>> -> memref<128xi32, #tpu.memory_space<vmem>>
      %dma_wait3A_110 = arith.constant 0 : i32
      %dma_wait3A_111 = tpu.memref_slice %arg4[%dma_wait3A_110] : memref<10240xf32, #tpu.memory_space<vmem_shared>> -> memref<10240xf32, #tpu.memory_space<vmem_shared>>
      tpu.wait_indirect_dma semaphore(%arg8 : memref<!tpu.dma_semaphore, #tpu.memory_space<semaphore_mem>>) src(%arg7 : memref<128xf32, #tpu.memory_space<vmem>>) dst(%dma_wait3A_111 : memref<10240xf32, #tpu.memory_space<vmem_shared>>)
      %dma_wait3A_112 = arith.constant 0 : i32
      %dma_wait3A_113 = tpu.memref_slice %arg5[%add3A_92, %dma_wait3A_112] : memref<79x128xi32, #tpu.memory_space<vmem>> -> memref<1x128xi32, #tpu.memory_space<vmem>>
      %dma_wait3A_114 = tpu.memref_squeeze %dma_wait3A_113 : memref<1x128xi32, #tpu.memory_space<vmem>> -> memref<128xi32, #tpu.memory_space<vmem>>
      %dma_wait3A_115 = arith.constant 0 : i32
      %dma_wait3A_116 = tpu.memref_slice %arg4[%dma_wait3A_115] : memref<10240xf32, #tpu.memory_space<vmem_shared>> -> memref<10240xf32, #tpu.memory_space<vmem_shared>>
      tpu.wait_indirect_dma semaphore(%arg8 : memref<!tpu.dma_semaphore, #tpu.memory_space<semaphore_mem>>) src(%arg7 : memref<128xf32, #tpu.memory_space<vmem>>) dst(%dma_wait3A_116 : memref<10240xf32, #tpu.memory_space<vmem_shared>>)
    }
    %scan3A_46 = arith.constant 19 : i32
    %while3A_47 = arith.constant 0 : i32
    %while3A_48 = arith.constant 76 : i32
    %while3A_49 = arith.subi %add3A_8, %while3A_48 : i32
    %while3A_50 = arith.addi %while3A_48, %while3A_49 : i32
    %while3A_51 = arith.constant 1 : i32
    %while3A_52 = arith.divsi %while3A_49, %while3A_51 : i32
    %while3A_53 = arith.muli %while3A_52, %while3A_51 : i32
    %while3A_54 = arith.addi %while3A_48, %while3A_53 : i32
    %while3A_55 = arith.constant 1 : i32
    scf.for %while3A_62 = %while3A_48 to %while3A_54 step %while3A_55  : i32 {
      "tpu.region"() ({
        %run_scoped3A = tpu.sem_alloc : memref<!tpu.dma_semaphore, #tpu.memory_space<semaphore_mem>>
        %dma_start3A = arith.constant 0 : i32
        %dma_start3A_63 = tpu.memref_slice %arg5[%while3A_62, %dma_start3A] : memref<79x128xi32, #tpu.memory_space<vmem>> -> memref<1x128xi32, #tpu.memory_space<vmem>>
        %dma_start3A_64 = tpu.memref_squeeze %dma_start3A_63 : memref<1x128xi32, #tpu.memory_space<vmem>> -> memref<128xi32, #tpu.memory_space<vmem>>
        %dma_start3A_65 = arith.constant 0 : i32
        %dma_start3A_66 = tpu.memref_slice %arg4[%dma_start3A_65] : memref<10240xf32, #tpu.memory_space<vmem_shared>> -> memref<10240xf32, #tpu.memory_space<vmem_shared>>
        tpu.enqueue_indirect_dma source(%arg7 : memref<128xf32, #tpu.memory_space<vmem>>) target(%dma_start3A_66 : memref<10240xf32, #tpu.memory_space<vmem_shared>>) offsets(%dma_start3A_64 : memref<128xi32, #tpu.memory_space<vmem>>) semaphore(%run_scoped3A : memref<!tpu.dma_semaphore, #tpu.memory_space<semaphore_mem>>) {add = true}
        %dma_wait3A = arith.constant 0 : i32
        %dma_wait3A_67 = tpu.memref_slice %arg5[%while3A_62, %dma_wait3A] : memref<79x128xi32, #tpu.memory_space<vmem>> -> memref<1x128xi32, #tpu.memory_space<vmem>>
        %dma_wait3A_68 = tpu.memref_squeeze %dma_wait3A_67 : memref<1x128xi32, #tpu.memory_space<vmem>> -> memref<128xi32, #tpu.memory_space<vmem>>
        %dma_wait3A_69 = arith.constant 0 : i32
        %dma_wait3A_70 = tpu.memref_slice %arg4[%dma_wait3A_69] : memref<10240xf32, #tpu.memory_space<vmem_shared>> -> memref<10240xf32, #tpu.memory_space<vmem_shared>>
        tpu.wait_indirect_dma semaphore(%run_scoped3A : memref<!tpu.dma_semaphore, #tpu.memory_space<semaphore_mem>>) src(%arg7 : memref<128xf32, #tpu.memory_space<vmem>>) dst(%dma_wait3A_70 : memref<10240xf32, #tpu.memory_space<vmem_shared>>)
        tpu.yield
      }) : () -> ()
    }
    %while3A_56 = arith.constant 1 : i32
    scf.for %while3A_62 = %while3A_54 to %while3A_50 step %while3A_56  : i32 {
      "tpu.region"() ({
        %run_scoped3A = tpu.sem_alloc : memref<!tpu.dma_semaphore, #tpu.memory_space<semaphore_mem>>
        %dma_start3A = arith.constant 0 : i32
        %dma_start3A_63 = tpu.memref_slice %arg5[%while3A_62, %dma_start3A] : memref<79x128xi32, #tpu.memory_space<vmem>> -> memref<1x128xi32, #tpu.memory_space<vmem>>
        %dma_start3A_64 = tpu.memref_squeeze %dma_start3A_63 : memref<1x128xi32, #tpu.memory_space<vmem>> -> memref<128xi32, #tpu.memory_space<vmem>>
        %dma_start3A_65 = arith.constant 0 : i32
        %dma_start3A_66 = tpu.memref_slice %arg4[%dma_start3A_65] : memref<10240xf32, #tpu.memory_space<vmem_shared>> -> memref<10240xf32, #tpu.memory_space<vmem_shared>>
        tpu.enqueue_indirect_dma source(%arg7 : memref<128xf32, #tpu.memory_space<vmem>>) target(%dma_start3A_66 : memref<10240xf32, #tpu.memory_space<vmem_shared>>) offsets(%dma_start3A_64 : memref<128xi32, #tpu.memory_space<vmem>>) semaphore(%run_scoped3A : memref<!tpu.dma_semaphore, #tpu.memory_space<semaphore_mem>>) {add = true}
        %dma_wait3A = arith.constant 0 : i32
        %dma_wait3A_67 = tpu.memref_slice %arg5[%while3A_62, %dma_wait3A] : memref<79x128xi32, #tpu.memory_space<vmem>> -> memref<1x128xi32, #tpu.memory_space<vmem>>
        %dma_wait3A_68 = tpu.memref_squeeze %dma_wait3A_67 : memref<1x128xi32, #tpu.memory_space<vmem>> -> memref<128xi32, #tpu.memory_space<vmem>>
        %dma_wait3A_69 = arith.constant 0 : i32
        %dma_wait3A_70 = tpu.memref_slice %arg4[%dma_wait3A_69] : memref<10240xf32, #tpu.memory_space<vmem_shared>> -> memref<10240xf32, #tpu.memory_space<vmem_shared>>
        tpu.wait_indirect_dma semaphore(%run_scoped3A : memref<!tpu.dma_semaphore, #tpu.memory_space<semaphore_mem>>) src(%arg7 : memref<128xf32, #tpu.memory_space<vmem>>) dst(%dma_wait3A_70 : memref<10240xf32, #tpu.memory_space<vmem_shared>>)
        tpu.yield
      }) : () -> ()
    }
    %barrier3A_57 = arith.constant 0 : index
    tpu.barrier barrier_id(%barrier3A_57)
    %mul3A_58 = arith.constant 640 : i32
    %mul3A_59 = arith.muli %arg1, %mul3A_58 : i32
    %mul3A_60 = arith.constant 640 : i32
    %mul3A_61 = arith.muli %arg1, %mul3A_60 : i32
    "tpu.region"() ({
      %run_scoped3A = tpu.sem_alloc : memref<!tpu.dma_semaphore, #tpu.memory_space<semaphore_mem>>
      %dma_start3A = tpu.memref_slice %arg3[%arg0, %mul3A_61] : memref<2x10240xf32, #tpu.memory_space<hbm>> -> memref<1x640xf32, #tpu.memory_space<hbm>>
      %dma_start3A_62 = tpu.memref_squeeze %dma_start3A : memref<1x640xf32, #tpu.memory_space<hbm>> -> memref<640xf32, #tpu.memory_space<hbm>>
      %dma_start3A_63 = tpu.memref_slice %arg4[%mul3A_59] : memref<10240xf32, #tpu.memory_space<vmem_shared>> -> memref<640xf32, #tpu.memory_space<vmem_shared>>
      tpu.enqueue_dma source(%dma_start3A_63 : memref<640xf32, #tpu.memory_space<vmem_shared>>) target(%dma_start3A_62 : memref<640xf32, #tpu.memory_space<hbm>>) target_semaphore(%run_scoped3A : memref<!tpu.dma_semaphore, #tpu.memory_space<semaphore_mem>>)
      %dma_wait3A = tpu.memref_slice %arg3[%arg0, %mul3A_61] : memref<2x10240xf32, #tpu.memory_space<hbm>> -> memref<1x640xf32, #tpu.memory_space<hbm>>
      %dma_wait3A_64 = tpu.memref_squeeze %dma_wait3A : memref<1x640xf32, #tpu.memory_space<hbm>> -> memref<640xf32, #tpu.memory_space<hbm>>
      %dma_wait3A_65 = tpu.memref_slice %arg4[%mul3A_59] : memref<10240xf32, #tpu.memory_space<vmem_shared>> -> memref<640xf32, #tpu.memory_space<vmem_shared>>
      tpu.wait_dma2 semaphore(%run_scoped3A : memref<!tpu.dma_semaphore, #tpu.memory_space<semaphore_mem>>) src(%dma_wait3A_65 : memref<640xf32, #tpu.memory_space<vmem_shared>>) dst(%dma_wait3A_64 : memref<640xf32, #tpu.memory_space<hbm>>)
      tpu.yield
    }) : () -> ()
    return
  }
}

#map = affine_map<(d0, d1) -> (0, 0)>
#map1 = affine_map<(d0, d1) -> (0, 0, 0)>
module attributes {stable_mosaic.version = 14 : i64} {
  func.func @_agg_kernel(%arg0: i32, %arg1: i32, %arg2: memref<10240x64xf32, #tpu.memory_space<hbm>>, %arg3: memref<2x320000xi32, #tpu.memory_space<hbm>>, %arg4: memref<2x10240x64xf32, #tpu.memory_space<hbm>>, %arg5: memref<10240x64xf32, #tpu.memory_space<vmem_shared>>, %arg6: memref<79x128xi32, #tpu.memory_space<vmem>>, %arg7: memref<79x128xi32, #tpu.memory_space<vmem>>, %arg8: memref<8x128x64xf32, #tpu.memory_space<vmem>>, %arg9: memref<!tpu.dma_semaphore, #tpu.memory_space<semaphore_mem>>, %arg10: memref<!tpu.dma_semaphore, #tpu.memory_space<semaphore_mem>>, %arg11: memref<!tpu.dma_semaphore, #tpu.memory_space<semaphore_mem>>) attributes {dimension_semantics = [#tpu.dimension_semantics<core_parallel>, #tpu.dimension_semantics<subcore_parallel>], iteration_bounds = array<i64: 2, 16>, scalar_prefetch = 0 : i64, scratch_operands = 7 : i64, tpu.core_type = #tpu.core_type<sc_vector_subcore>, window_params = [{transform_indices = #map}, {transform_indices = #map}, {transform_indices = #map1}]} {
    %mul3A = arith.constant 16 : i32
    %mul3A_0 = arith.muli %arg0, %mul3A : i32
    %add3A = arith.addi %mul3A_0, %arg1 : i32
    %mul3A_1 = arith.constant 78 : i32
    %mul3A_2 = arith.muli %add3A, %mul3A_1 : i32
    %min3A = arith.constant 4 : i32
    %min3A_3 = arith.minsi %add3A, %min3A : i32
    %add3A_4 = arith.addi %mul3A_2, %min3A_3 : i32
    %lt3A = arith.constant 4 : i32
    %lt3A_5 = arith.cmpi slt, %add3A, %lt3A : i32
    %jit3A = arith.constant 1 : i32
    %jit3A_6 = arith.constant 0 : i32
    %select_n3A = arith.select %lt3A_5, %jit3A, %jit3A_6 : i32
    %add3A_7 = arith.constant 78 : i32
    %add3A_8 = arith.addi %add3A_7, %select_n3A : i32
    %while3A = arith.constant 0 : i32
    %while3A_9 = arith.constant 0 : i32
    %while3A_10 = arith.subi %add3A_8, %while3A_9 : i32
    %while3A_11 = arith.addi %while3A_9, %while3A_10 : i32
    %while3A_12 = arith.constant 1 : i32
    %while3A_13 = arith.divsi %while3A_10, %while3A_12 : i32
    %while3A_14 = arith.muli %while3A_13, %while3A_12 : i32
    %while3A_15 = arith.addi %while3A_9, %while3A_14 : i32
    %while3A_16 = arith.constant 1 : i32
    scf.for %while3A_193 = %while3A_9 to %while3A_15 step %while3A_16  : i32 {
      %add3A_194 = arith.addi %add3A_4, %while3A_193 : i32
      %mul3A_195 = arith.constant 128 : i32
      %mul3A_196 = arith.muli %add3A_194, %mul3A_195 : i32
      %dma_start3A_197 = arith.constant 0 : i32
      %dma_start3A_198 = arith.constant 0 : i32
      %dma_start3A_199 = tpu.memref_slice %arg6[%while3A_193, %dma_start3A_198] : memref<79x128xi32, #tpu.memory_space<vmem>> -> memref<1x128xi32, #tpu.memory_space<vmem>>
      %dma_start3A_200 = tpu.memref_squeeze %dma_start3A_199 : memref<1x128xi32, #tpu.memory_space<vmem>> -> memref<128xi32, #tpu.memory_space<vmem>>
      %dma_start3A_201 = tpu.memref_slice %arg3[%dma_start3A_197, %mul3A_196] : memref<2x320000xi32, #tpu.memory_space<hbm>> -> memref<1x128xi32, #tpu.memory_space<hbm>>
      %dma_start3A_202 = tpu.memref_squeeze %dma_start3A_201 : memref<1x128xi32, #tpu.memory_space<hbm>> -> memref<128xi32, #tpu.memory_space<hbm>>
      %dma_start3A_203 = arith.constant 0 : i32
      %dma_start3A_204 = tpu.memref_slice %arg6[%while3A_193, %dma_start3A_203] : memref<79x128xi32, #tpu.memory_space<vmem>> -> memref<1x128xi32, #tpu.memory_space<vmem>>
      %dma_start3A_205 = tpu.memref_squeeze %dma_start3A_204 : memref<1x128xi32, #tpu.memory_space<vmem>> -> memref<128xi32, #tpu.memory_space<vmem>>
      %dma_start3A_206 = tpu.memref_slice %arg3[%dma_start3A_197, %mul3A_196] : memref<2x320000xi32, #tpu.memory_space<hbm>> -> memref<1x128xi32, #tpu.memory_space<hbm>>
      %dma_start3A_207 = tpu.memref_squeeze %dma_start3A_206 : memref<1x128xi32, #tpu.memory_space<hbm>> -> memref<128xi32, #tpu.memory_space<hbm>>
      tpu.enqueue_dma source(%dma_start3A_207 : memref<128xi32, #tpu.memory_space<hbm>>) target(%dma_start3A_205 : memref<128xi32, #tpu.memory_space<vmem>>) target_semaphore(%arg9 : memref<!tpu.dma_semaphore, #tpu.memory_space<semaphore_mem>>)
    }
    %while3A_17 = arith.constant 1 : i32
    scf.for %while3A_193 = %while3A_15 to %while3A_11 step %while3A_17  : i32 {
      %add3A_194 = arith.addi %add3A_4, %while3A_193 : i32
      %mul3A_195 = arith.constant 128 : i32
      %mul3A_196 = arith.muli %add3A_194, %mul3A_195 : i32
      %dma_start3A_197 = arith.constant 0 : i32
      %dma_start3A_198 = arith.constant 0 : i32
      %dma_start3A_199 = tpu.memref_slice %arg6[%while3A_193, %dma_start3A_198] : memref<79x128xi32, #tpu.memory_space<vmem>> -> memref<1x128xi32, #tpu.memory_space<vmem>>
      %dma_start3A_200 = tpu.memref_squeeze %dma_start3A_199 : memref<1x128xi32, #tpu.memory_space<vmem>> -> memref<128xi32, #tpu.memory_space<vmem>>
      %dma_start3A_201 = tpu.memref_slice %arg3[%dma_start3A_197, %mul3A_196] : memref<2x320000xi32, #tpu.memory_space<hbm>> -> memref<1x128xi32, #tpu.memory_space<hbm>>
      %dma_start3A_202 = tpu.memref_squeeze %dma_start3A_201 : memref<1x128xi32, #tpu.memory_space<hbm>> -> memref<128xi32, #tpu.memory_space<hbm>>
      %dma_start3A_203 = arith.constant 0 : i32
      %dma_start3A_204 = tpu.memref_slice %arg6[%while3A_193, %dma_start3A_203] : memref<79x128xi32, #tpu.memory_space<vmem>> -> memref<1x128xi32, #tpu.memory_space<vmem>>
      %dma_start3A_205 = tpu.memref_squeeze %dma_start3A_204 : memref<1x128xi32, #tpu.memory_space<vmem>> -> memref<128xi32, #tpu.memory_space<vmem>>
      %dma_start3A_206 = tpu.memref_slice %arg3[%dma_start3A_197, %mul3A_196] : memref<2x320000xi32, #tpu.memory_space<hbm>> -> memref<1x128xi32, #tpu.memory_space<hbm>>
      %dma_start3A_207 = tpu.memref_squeeze %dma_start3A_206 : memref<1x128xi32, #tpu.memory_space<hbm>> -> memref<128xi32, #tpu.memory_space<hbm>>
      tpu.enqueue_dma source(%dma_start3A_207 : memref<128xi32, #tpu.memory_space<hbm>>) target(%dma_start3A_205 : memref<128xi32, #tpu.memory_space<vmem>>) target_semaphore(%arg9 : memref<!tpu.dma_semaphore, #tpu.memory_space<semaphore_mem>>)
    }
    %while3A_18 = arith.constant 0 : i32
    %while3A_19 = arith.constant 0 : i32
    %while3A_20 = arith.subi %add3A_8, %while3A_19 : i32
    %while3A_21 = arith.addi %while3A_19, %while3A_20 : i32
    %while3A_22 = arith.constant 1 : i32
    %while3A_23 = arith.divsi %while3A_20, %while3A_22 : i32
    %while3A_24 = arith.muli %while3A_23, %while3A_22 : i32
    %while3A_25 = arith.addi %while3A_19, %while3A_24 : i32
    %while3A_26 = arith.constant 1 : i32
    scf.for %while3A_193 = %while3A_19 to %while3A_25 step %while3A_26  : i32 {
      %mul3A_194 = arith.constant 128 : i32
      %mul3A_195 = arith.muli %add3A_4, %mul3A_194 : i32
      %dma_wait3A = arith.constant 0 : i32
      %dma_wait3A_196 = arith.constant 0 : i32
      %dma_wait3A_197 = arith.constant 0 : i32
      %dma_wait3A_198 = tpu.memref_slice %arg6[%dma_wait3A_196, %dma_wait3A_197] : memref<79x128xi32, #tpu.memory_space<vmem>> -> memref<1x128xi32, #tpu.memory_space<vmem>>
      %dma_wait3A_199 = tpu.memref_squeeze %dma_wait3A_198 : memref<1x128xi32, #tpu.memory_space<vmem>> -> memref<128xi32, #tpu.memory_space<vmem>>
      %dma_wait3A_200 = tpu.memref_slice %arg3[%dma_wait3A, %mul3A_195] : memref<2x320000xi32, #tpu.memory_space<hbm>> -> memref<1x128xi32, #tpu.memory_space<hbm>>
      %dma_wait3A_201 = tpu.memref_squeeze %dma_wait3A_200 : memref<1x128xi32, #tpu.memory_space<hbm>> -> memref<128xi32, #tpu.memory_space<hbm>>
      %dma_wait3A_202 = arith.constant 0 : i32
      %dma_wait3A_203 = tpu.memref_slice %arg6[%dma_wait3A_196, %dma_wait3A_202] : memref<79x128xi32, #tpu.memory_space<vmem>> -> memref<1x128xi32, #tpu.memory_space<vmem>>
      %dma_wait3A_204 = tpu.memref_squeeze %dma_wait3A_203 : memref<1x128xi32, #tpu.memory_space<vmem>> -> memref<128xi32, #tpu.memory_space<vmem>>
      %dma_wait3A_205 = tpu.memref_slice %arg3[%dma_wait3A, %mul3A_195] : memref<2x320000xi32, #tpu.memory_space<hbm>> -> memref<1x128xi32, #tpu.memory_space<hbm>>
      %dma_wait3A_206 = tpu.memref_squeeze %dma_wait3A_205 : memref<1x128xi32, #tpu.memory_space<hbm>> -> memref<128xi32, #tpu.memory_space<hbm>>
      tpu.wait_dma2 semaphore(%arg9 : memref<!tpu.dma_semaphore, #tpu.memory_space<semaphore_mem>>) src(%dma_wait3A_206 : memref<128xi32, #tpu.memory_space<hbm>>) dst(%dma_wait3A_204 : memref<128xi32, #tpu.memory_space<vmem>>)
    }
    %while3A_27 = arith.constant 1 : i32
    scf.for %while3A_193 = %while3A_25 to %while3A_21 step %while3A_27  : i32 {
      %mul3A_194 = arith.constant 128 : i32
      %mul3A_195 = arith.muli %add3A_4, %mul3A_194 : i32
      %dma_wait3A = arith.constant 0 : i32
      %dma_wait3A_196 = arith.constant 0 : i32
      %dma_wait3A_197 = arith.constant 0 : i32
      %dma_wait3A_198 = tpu.memref_slice %arg6[%dma_wait3A_196, %dma_wait3A_197] : memref<79x128xi32, #tpu.memory_space<vmem>> -> memref<1x128xi32, #tpu.memory_space<vmem>>
      %dma_wait3A_199 = tpu.memref_squeeze %dma_wait3A_198 : memref<1x128xi32, #tpu.memory_space<vmem>> -> memref<128xi32, #tpu.memory_space<vmem>>
      %dma_wait3A_200 = tpu.memref_slice %arg3[%dma_wait3A, %mul3A_195] : memref<2x320000xi32, #tpu.memory_space<hbm>> -> memref<1x128xi32, #tpu.memory_space<hbm>>
      %dma_wait3A_201 = tpu.memref_squeeze %dma_wait3A_200 : memref<1x128xi32, #tpu.memory_space<hbm>> -> memref<128xi32, #tpu.memory_space<hbm>>
      %dma_wait3A_202 = arith.constant 0 : i32
      %dma_wait3A_203 = tpu.memref_slice %arg6[%dma_wait3A_196, %dma_wait3A_202] : memref<79x128xi32, #tpu.memory_space<vmem>> -> memref<1x128xi32, #tpu.memory_space<vmem>>
      %dma_wait3A_204 = tpu.memref_squeeze %dma_wait3A_203 : memref<1x128xi32, #tpu.memory_space<vmem>> -> memref<128xi32, #tpu.memory_space<vmem>>
      %dma_wait3A_205 = tpu.memref_slice %arg3[%dma_wait3A, %mul3A_195] : memref<2x320000xi32, #tpu.memory_space<hbm>> -> memref<1x128xi32, #tpu.memory_space<hbm>>
      %dma_wait3A_206 = tpu.memref_squeeze %dma_wait3A_205 : memref<1x128xi32, #tpu.memory_space<hbm>> -> memref<128xi32, #tpu.memory_space<hbm>>
      tpu.wait_dma2 semaphore(%arg9 : memref<!tpu.dma_semaphore, #tpu.memory_space<semaphore_mem>>) src(%dma_wait3A_206 : memref<128xi32, #tpu.memory_space<hbm>>) dst(%dma_wait3A_204 : memref<128xi32, #tpu.memory_space<vmem>>)
    }
    %while3A_28 = arith.constant 0 : i32
    %while3A_29 = arith.constant 0 : i32
    %while3A_30 = arith.subi %add3A_8, %while3A_29 : i32
    %while3A_31 = arith.addi %while3A_29, %while3A_30 : i32
    %while3A_32 = arith.constant 1 : i32
    %while3A_33 = arith.divsi %while3A_30, %while3A_32 : i32
    %while3A_34 = arith.muli %while3A_33, %while3A_32 : i32
    %while3A_35 = arith.addi %while3A_29, %while3A_34 : i32
    %while3A_36 = arith.constant 1 : i32
    scf.for %while3A_193 = %while3A_29 to %while3A_35 step %while3A_36  : i32 {
      %add3A_194 = arith.addi %add3A_4, %while3A_193 : i32
      %mul3A_195 = arith.constant 128 : i32
      %mul3A_196 = arith.muli %add3A_194, %mul3A_195 : i32
      %dma_start3A_197 = arith.constant 1 : i32
      %dma_start3A_198 = arith.constant 0 : i32
      %dma_start3A_199 = tpu.memref_slice %arg7[%while3A_193, %dma_start3A_198] : memref<79x128xi32, #tpu.memory_space<vmem>> -> memref<1x128xi32, #tpu.memory_space<vmem>>
      %dma_start3A_200 = tpu.memref_squeeze %dma_start3A_199 : memref<1x128xi32, #tpu.memory_space<vmem>> -> memref<128xi32, #tpu.memory_space<vmem>>
      %dma_start3A_201 = tpu.memref_slice %arg3[%dma_start3A_197, %mul3A_196] : memref<2x320000xi32, #tpu.memory_space<hbm>> -> memref<1x128xi32, #tpu.memory_space<hbm>>
      %dma_start3A_202 = tpu.memref_squeeze %dma_start3A_201 : memref<1x128xi32, #tpu.memory_space<hbm>> -> memref<128xi32, #tpu.memory_space<hbm>>
      %dma_start3A_203 = arith.constant 0 : i32
      %dma_start3A_204 = tpu.memref_slice %arg7[%while3A_193, %dma_start3A_203] : memref<79x128xi32, #tpu.memory_space<vmem>> -> memref<1x128xi32, #tpu.memory_space<vmem>>
      %dma_start3A_205 = tpu.memref_squeeze %dma_start3A_204 : memref<1x128xi32, #tpu.memory_space<vmem>> -> memref<128xi32, #tpu.memory_space<vmem>>
      %dma_start3A_206 = tpu.memref_slice %arg3[%dma_start3A_197, %mul3A_196] : memref<2x320000xi32, #tpu.memory_space<hbm>> -> memref<1x128xi32, #tpu.memory_space<hbm>>
      %dma_start3A_207 = tpu.memref_squeeze %dma_start3A_206 : memref<1x128xi32, #tpu.memory_space<hbm>> -> memref<128xi32, #tpu.memory_space<hbm>>
      tpu.enqueue_dma source(%dma_start3A_207 : memref<128xi32, #tpu.memory_space<hbm>>) target(%dma_start3A_205 : memref<128xi32, #tpu.memory_space<vmem>>) target_semaphore(%arg9 : memref<!tpu.dma_semaphore, #tpu.memory_space<semaphore_mem>>)
    }
    %while3A_37 = arith.constant 1 : i32
    scf.for %while3A_193 = %while3A_35 to %while3A_31 step %while3A_37  : i32 {
      %add3A_194 = arith.addi %add3A_4, %while3A_193 : i32
      %mul3A_195 = arith.constant 128 : i32
      %mul3A_196 = arith.muli %add3A_194, %mul3A_195 : i32
      %dma_start3A_197 = arith.constant 1 : i32
      %dma_start3A_198 = arith.constant 0 : i32
      %dma_start3A_199 = tpu.memref_slice %arg7[%while3A_193, %dma_start3A_198] : memref<79x128xi32, #tpu.memory_space<vmem>> -> memref<1x128xi32, #tpu.memory_space<vmem>>
      %dma_start3A_200 = tpu.memref_squeeze %dma_start3A_199 : memref<1x128xi32, #tpu.memory_space<vmem>> -> memref<128xi32, #tpu.memory_space<vmem>>
      %dma_start3A_201 = tpu.memref_slice %arg3[%dma_start3A_197, %mul3A_196] : memref<2x320000xi32, #tpu.memory_space<hbm>> -> memref<1x128xi32, #tpu.memory_space<hbm>>
      %dma_start3A_202 = tpu.memref_squeeze %dma_start3A_201 : memref<1x128xi32, #tpu.memory_space<hbm>> -> memref<128xi32, #tpu.memory_space<hbm>>
      %dma_start3A_203 = arith.constant 0 : i32
      %dma_start3A_204 = tpu.memref_slice %arg7[%while3A_193, %dma_start3A_203] : memref<79x128xi32, #tpu.memory_space<vmem>> -> memref<1x128xi32, #tpu.memory_space<vmem>>
      %dma_start3A_205 = tpu.memref_squeeze %dma_start3A_204 : memref<1x128xi32, #tpu.memory_space<vmem>> -> memref<128xi32, #tpu.memory_space<vmem>>
      %dma_start3A_206 = tpu.memref_slice %arg3[%dma_start3A_197, %mul3A_196] : memref<2x320000xi32, #tpu.memory_space<hbm>> -> memref<1x128xi32, #tpu.memory_space<hbm>>
      %dma_start3A_207 = tpu.memref_squeeze %dma_start3A_206 : memref<1x128xi32, #tpu.memory_space<hbm>> -> memref<128xi32, #tpu.memory_space<hbm>>
      tpu.enqueue_dma source(%dma_start3A_207 : memref<128xi32, #tpu.memory_space<hbm>>) target(%dma_start3A_205 : memref<128xi32, #tpu.memory_space<vmem>>) target_semaphore(%arg9 : memref<!tpu.dma_semaphore, #tpu.memory_space<semaphore_mem>>)
    }
    %while3A_38 = arith.constant 0 : i32
    %while3A_39 = arith.constant 0 : i32
    %while3A_40 = arith.subi %add3A_8, %while3A_39 : i32
    %while3A_41 = arith.addi %while3A_39, %while3A_40 : i32
    %while3A_42 = arith.constant 1 : i32
    %while3A_43 = arith.divsi %while3A_40, %while3A_42 : i32
    %while3A_44 = arith.muli %while3A_43, %while3A_42 : i32
    %while3A_45 = arith.addi %while3A_39, %while3A_44 : i32
    %while3A_46 = arith.constant 1 : i32
    scf.for %while3A_193 = %while3A_39 to %while3A_45 step %while3A_46  : i32 {
      %mul3A_194 = arith.constant 128 : i32
      %mul3A_195 = arith.muli %add3A_4, %mul3A_194 : i32
      %dma_wait3A = arith.constant 1 : i32
      %dma_wait3A_196 = arith.constant 0 : i32
      %dma_wait3A_197 = arith.constant 0 : i32
      %dma_wait3A_198 = tpu.memref_slice %arg7[%dma_wait3A_196, %dma_wait3A_197] : memref<79x128xi32, #tpu.memory_space<vmem>> -> memref<1x128xi32, #tpu.memory_space<vmem>>
      %dma_wait3A_199 = tpu.memref_squeeze %dma_wait3A_198 : memref<1x128xi32, #tpu.memory_space<vmem>> -> memref<128xi32, #tpu.memory_space<vmem>>
      %dma_wait3A_200 = tpu.memref_slice %arg3[%dma_wait3A, %mul3A_195] : memref<2x320000xi32, #tpu.memory_space<hbm>> -> memref<1x128xi32, #tpu.memory_space<hbm>>
      %dma_wait3A_201 = tpu.memref_squeeze %dma_wait3A_200 : memref<1x128xi32, #tpu.memory_space<hbm>> -> memref<128xi32, #tpu.memory_space<hbm>>
      %dma_wait3A_202 = arith.constant 0 : i32
      %dma_wait3A_203 = tpu.memref_slice %arg7[%dma_wait3A_196, %dma_wait3A_202] : memref<79x128xi32, #tpu.memory_space<vmem>> -> memref<1x128xi32, #tpu.memory_space<vmem>>
      %dma_wait3A_204 = tpu.memref_squeeze %dma_wait3A_203 : memref<1x128xi32, #tpu.memory_space<vmem>> -> memref<128xi32, #tpu.memory_space<vmem>>
      %dma_wait3A_205 = tpu.memref_slice %arg3[%dma_wait3A, %mul3A_195] : memref<2x320000xi32, #tpu.memory_space<hbm>> -> memref<1x128xi32, #tpu.memory_space<hbm>>
      %dma_wait3A_206 = tpu.memref_squeeze %dma_wait3A_205 : memref<1x128xi32, #tpu.memory_space<hbm>> -> memref<128xi32, #tpu.memory_space<hbm>>
      tpu.wait_dma2 semaphore(%arg9 : memref<!tpu.dma_semaphore, #tpu.memory_space<semaphore_mem>>) src(%dma_wait3A_206 : memref<128xi32, #tpu.memory_space<hbm>>) dst(%dma_wait3A_204 : memref<128xi32, #tpu.memory_space<vmem>>)
    }
    %while3A_47 = arith.constant 1 : i32
    scf.for %while3A_193 = %while3A_45 to %while3A_41 step %while3A_47  : i32 {
      %mul3A_194 = arith.constant 128 : i32
      %mul3A_195 = arith.muli %add3A_4, %mul3A_194 : i32
      %dma_wait3A = arith.constant 1 : i32
      %dma_wait3A_196 = arith.constant 0 : i32
      %dma_wait3A_197 = arith.constant 0 : i32
      %dma_wait3A_198 = tpu.memref_slice %arg7[%dma_wait3A_196, %dma_wait3A_197] : memref<79x128xi32, #tpu.memory_space<vmem>> -> memref<1x128xi32, #tpu.memory_space<vmem>>
      %dma_wait3A_199 = tpu.memref_squeeze %dma_wait3A_198 : memref<1x128xi32, #tpu.memory_space<vmem>> -> memref<128xi32, #tpu.memory_space<vmem>>
      %dma_wait3A_200 = tpu.memref_slice %arg3[%dma_wait3A, %mul3A_195] : memref<2x320000xi32, #tpu.memory_space<hbm>> -> memref<1x128xi32, #tpu.memory_space<hbm>>
      %dma_wait3A_201 = tpu.memref_squeeze %dma_wait3A_200 : memref<1x128xi32, #tpu.memory_space<hbm>> -> memref<128xi32, #tpu.memory_space<hbm>>
      %dma_wait3A_202 = arith.constant 0 : i32
      %dma_wait3A_203 = tpu.memref_slice %arg7[%dma_wait3A_196, %dma_wait3A_202] : memref<79x128xi32, #tpu.memory_space<vmem>> -> memref<1x128xi32, #tpu.memory_space<vmem>>
      %dma_wait3A_204 = tpu.memref_squeeze %dma_wait3A_203 : memref<1x128xi32, #tpu.memory_space<vmem>> -> memref<128xi32, #tpu.memory_space<vmem>>
      %dma_wait3A_205 = tpu.memref_slice %arg3[%dma_wait3A, %mul3A_195] : memref<2x320000xi32, #tpu.memory_space<hbm>> -> memref<1x128xi32, #tpu.memory_space<hbm>>
      %dma_wait3A_206 = tpu.memref_squeeze %dma_wait3A_205 : memref<1x128xi32, #tpu.memory_space<hbm>> -> memref<128xi32, #tpu.memory_space<hbm>>
      tpu.wait_dma2 semaphore(%arg9 : memref<!tpu.dma_semaphore, #tpu.memory_space<semaphore_mem>>) src(%dma_wait3A_206 : memref<128xi32, #tpu.memory_space<hbm>>) dst(%dma_wait3A_204 : memref<128xi32, #tpu.memory_space<vmem>>)
    }
    %scan3A = arith.constant 0 : i32
    %scan3A_48 = arith.constant 0 : i32
    %scan3A_49 = arith.constant 512 : i32
    %scan3A_50 = arith.addi %scan3A_48, %scan3A_49 : i32
    %scan3A_51 = arith.constant 1 : i32
    scf.for %scan3A_193 = %scan3A_48 to %scan3A_50 step %scan3A_51  : i32 {
      %jit3A_194 = arith.constant 4 : i32
      %div3A = arith.divsi %scan3A_193, %jit3A_194 : i32
      %sign3A = arith.constant 0 : i32
      %sign3A_195 = arith.cmpi sgt, %scan3A_193, %sign3A : i32
      %sign3A_196 = arith.extui %sign3A_195 : i1 to i32
      %sign3A_197 = arith.constant 0 : i32
      %sign3A_198 = arith.cmpi slt, %scan3A_193, %sign3A_197 : i32
      %sign3A_199 = arith.extui %sign3A_198 : i1 to i32
      %sign3A_200 = arith.subi %sign3A_196, %sign3A_199 : i32
      %sign3A_201 = arith.constant 0 : i32
      %sign3A_202 = arith.cmpi sgt, %jit3A_194, %sign3A_201 : i32
      %sign3A_203 = arith.extui %sign3A_202 : i1 to i32
      %sign3A_204 = arith.constant 0 : i32
      %sign3A_205 = arith.cmpi slt, %jit3A_194, %sign3A_204 : i32
      %sign3A_206 = arith.extui %sign3A_205 : i1 to i32
      %sign3A_207 = arith.subi %sign3A_203, %sign3A_206 : i32
      %ne3A = arith.cmpi ne, %sign3A_200, %sign3A_207 : i32
      %rem3A = arith.remsi %scan3A_193, %jit3A_194 : i32
      %ne3A_208 = arith.constant 0 : i32
      %ne3A_209 = arith.cmpi ne, %rem3A, %ne3A_208 : i32
      %and3A = arith.andi %ne3A, %ne3A_209 : i1
      %sub3A = arith.constant 1 : i32
      %sub3A_210 = arith.subi %div3A, %sub3A : i32
      %select_n3A_211 = arith.select %and3A, %sub3A_210, %div3A : i32
      %jit3A_212 = arith.constant 4 : i32
      %eq3A = arith.constant 0 : i32
      %eq3A_213 = arith.cmpi eq, %jit3A_212, %eq3A : i32
      %jit3A_214 = arith.constant 1 : i32
      %select_n3A_215 = arith.select %eq3A_213, %jit3A_214, %jit3A_212 : i32
      %rem3A_216 = arith.remsi %scan3A_193, %select_n3A_215 : i32
      %ne3A_217 = arith.constant 0 : i32
      %ne3A_218 = arith.cmpi ne, %rem3A_216, %ne3A_217 : i32
      %lt3A_219 = arith.constant 0 : i32
      %lt3A_220 = arith.cmpi slt, %rem3A_216, %lt3A_219 : i32
      %lt3A_221 = arith.constant 0 : i32
      %lt3A_222 = arith.cmpi slt, %select_n3A_215, %lt3A_221 : i32
      %ne3A_223 = arith.xori %lt3A_220, %lt3A_222 : i1
      %and3A_224 = arith.andi %ne3A_223, %ne3A_218 : i1
      %add3A_225 = arith.addi %rem3A_216, %select_n3A_215 : i32
      %select_n3A_226 = arith.select %and3A_224, %add3A_225, %rem3A_216 : i32
      %broadcast_in_dim3A = arith.constant 0.000000e+00 : f32
      %broadcast_in_dim3A_227 = vector.broadcast %broadcast_in_dim3A : f32 to vector<16xf32>
      %mul3A_228 = arith.constant 16 : i32
      %mul3A_229 = arith.muli %select_n3A_226, %mul3A_228 : i32
      %swap3A = arith.constant 0 : i32
      %swap3A_230 = arith.index_cast %swap3A : i32 to index
      %swap3A_231 = arith.index_cast %select_n3A_211 : i32 to index
      %swap3A_232 = arith.index_cast %mul3A_229 : i32 to index
      %swap3A_233 = tpu.vector_load %arg8[%swap3A_230, %swap3A_231, %swap3A_232] {strides = array<i32>} : memref<8x128x64xf32, #tpu.memory_space<vmem>>, vector<1x1x16xf32>,
      %swap3A_234 = vector.shape_cast %swap3A_233 : vector<1x1x16xf32> to vector<16xf32>
      %swap3A_235 = vector.shape_cast %broadcast_in_dim3A_227 : vector<16xf32> to vector<1x1x16xf32>
      tpu.vector_store %arg8[%swap3A_230, %swap3A_231, %swap3A_232], %swap3A_235 {strides = array<i32>} : memref<8x128x64xf32, #tpu.memory_space<vmem>>, vector<1x1x16xf32>,
    }
    %scan3A_52 = arith.constant 512 : i32
    %mul3A_53 = arith.constant 640 : i32
    %mul3A_54 = arith.muli %arg1, %mul3A_53 : i32
    %add3A_55 = arith.constant 0 : i32
    %add3A_56 = arith.addi %mul3A_54, %add3A_55 : i32
    %run_scoped3A = arith.constant 0 : i32
    "tpu.region"() ({
      %run_scoped3A_193 = tpu.sem_alloc : memref<!tpu.dma_semaphore, #tpu.memory_space<semaphore_mem>>
      %dma_start3A_194 = arith.constant 0 : i32
      %dma_start3A_195 = arith.constant 0 : i32
      %dma_start3A_196 = tpu.memref_slice %arg8[%run_scoped3A, %dma_start3A_194, %dma_start3A_195] : memref<8x128x64xf32, #tpu.memory_space<vmem>> -> memref<1x128x64xf32, #tpu.memory_space<vmem>>
      %dma_start3A_197 = tpu.memref_squeeze %dma_start3A_196 : memref<1x128x64xf32, #tpu.memory_space<vmem>> -> memref<128x64xf32, #tpu.memory_space<vmem>>
      %dma_start3A_198 = arith.constant 0 : i32
      %dma_start3A_199 = tpu.memref_slice %arg5[%add3A_56, %dma_start3A_198] : memref<10240x64xf32, #tpu.memory_space<vmem_shared>> -> memref<128x64xf32, #tpu.memory_space<vmem_shared>>
      %dma_start3A_200 = arith.constant 0 : i32
      %dma_start3A_201 = tpu.memref_slice %arg5[%add3A_56, %dma_start3A_200] : memref<10240x64xf32, #tpu.memory_space<vmem_shared>> -> memref<128x64xf32, #tpu.memory_space<vmem_shared>>
      %dma_start3A_202 = arith.constant 0 : i32
      %dma_start3A_203 = arith.constant 0 : i32
      %dma_start3A_204 = tpu.memref_slice %arg8[%run_scoped3A, %dma_start3A_202, %dma_start3A_203] : memref<8x128x64xf32, #tpu.memory_space<vmem>> -> memref<1x128x64xf32, #tpu.memory_space<vmem>>
      %dma_start3A_205 = tpu.memref_squeeze %dma_start3A_204 : memref<1x128x64xf32, #tpu.memory_space<vmem>> -> memref<128x64xf32, #tpu.memory_space<vmem>>
      tpu.enqueue_dma source(%dma_start3A_205 : memref<128x64xf32, #tpu.memory_space<vmem>>) target(%dma_start3A_201 : memref<128x64xf32, #tpu.memory_space<vmem_shared>>) target_semaphore(%run_scoped3A_193 : memref<!tpu.dma_semaphore, #tpu.memory_space<semaphore_mem>>)
      %dma_wait3A = arith.constant 0 : i32
      %dma_wait3A_206 = arith.constant 0 : i32
      %dma_wait3A_207 = tpu.memref_slice %arg8[%run_scoped3A, %dma_wait3A, %dma_wait3A_206] : memref<8x128x64xf32, #tpu.memory_space<vmem>> -> memref<1x128x64xf32, #tpu.memory_space<vmem>>
      %dma_wait3A_208 = tpu.memref_squeeze %dma_wait3A_207 : memref<1x128x64xf32, #tpu.memory_space<vmem>> -> memref<128x64xf32, #tpu.memory_space<vmem>>
      %dma_wait3A_209 = arith.constant 0 : i32
      %dma_wait3A_210 = tpu.memref_slice %arg5[%add3A_56, %dma_wait3A_209] : memref<10240x64xf32, #tpu.memory_space<vmem_shared>> -> memref<128x64xf32, #tpu.memory_space<vmem_shared>>
      %dma_wait3A_211 = arith.constant 0 : i32
      %dma_wait3A_212 = tpu.memref_slice %arg5[%add3A_56, %dma_wait3A_211] : memref<10240x64xf32, #tpu.memory_space<vmem_shared>> -> memref<128x64xf32, #tpu.memory_space<vmem_shared>>
      %dma_wait3A_213 = arith.constant 0 : i32
      %dma_wait3A_214 = arith.constant 0 : i32
      %dma_wait3A_215 = tpu.memref_slice %arg8[%run_scoped3A, %dma_wait3A_213, %dma_wait3A_214] : memref<8x128x64xf32, #tpu.memory_space<vmem>> -> memref<1x128x64xf32, #tpu.memory_space<vmem>>
      %dma_wait3A_216 = tpu.memref_squeeze %dma_wait3A_215 : memref<1x128x64xf32, #tpu.memory_space<vmem>> -> memref<128x64xf32, #tpu.memory_space<vmem>>
      tpu.wait_dma2 semaphore(%run_scoped3A_193 : memref<!tpu.dma_semaphore, #tpu.memory_space<semaphore_mem>>) src(%dma_wait3A_216 : memref<128x64xf32, #tpu.memory_space<vmem>>) dst(%dma_wait3A_212 : memref<128x64xf32, #tpu.memory_space<vmem_shared>>)
      tpu.yield
    }) : () -> ()
    %mul3A_57 = arith.constant 640 : i32
    %mul3A_58 = arith.muli %arg1, %mul3A_57 : i32
    %add3A_59 = arith.constant 128 : i32
    %add3A_60 = arith.addi %mul3A_58, %add3A_59 : i32
    %run_scoped3A_61 = arith.constant 0 : i32
    "tpu.region"() ({
      %run_scoped3A_193 = tpu.sem_alloc : memref<!tpu.dma_semaphore, #tpu.memory_space<semaphore_mem>>
      %dma_start3A_194 = arith.constant 0 : i32
      %dma_start3A_195 = arith.constant 0 : i32
      %dma_start3A_196 = tpu.memref_slice %arg8[%run_scoped3A_61, %dma_start3A_194, %dma_start3A_195] : memref<8x128x64xf32, #tpu.memory_space<vmem>> -> memref<1x128x64xf32, #tpu.memory_space<vmem>>
      %dma_start3A_197 = tpu.memref_squeeze %dma_start3A_196 : memref<1x128x64xf32, #tpu.memory_space<vmem>> -> memref<128x64xf32, #tpu.memory_space<vmem>>
      %dma_start3A_198 = arith.constant 0 : i32
      %dma_start3A_199 = tpu.memref_slice %arg5[%add3A_60, %dma_start3A_198] : memref<10240x64xf32, #tpu.memory_space<vmem_shared>> -> memref<128x64xf32, #tpu.memory_space<vmem_shared>>
      %dma_start3A_200 = arith.constant 0 : i32
      %dma_start3A_201 = tpu.memref_slice %arg5[%add3A_60, %dma_start3A_200] : memref<10240x64xf32, #tpu.memory_space<vmem_shared>> -> memref<128x64xf32, #tpu.memory_space<vmem_shared>>
      %dma_start3A_202 = arith.constant 0 : i32
      %dma_start3A_203 = arith.constant 0 : i32
      %dma_start3A_204 = tpu.memref_slice %arg8[%run_scoped3A_61, %dma_start3A_202, %dma_start3A_203] : memref<8x128x64xf32, #tpu.memory_space<vmem>> -> memref<1x128x64xf32, #tpu.memory_space<vmem>>
      %dma_start3A_205 = tpu.memref_squeeze %dma_start3A_204 : memref<1x128x64xf32, #tpu.memory_space<vmem>> -> memref<128x64xf32, #tpu.memory_space<vmem>>
      tpu.enqueue_dma source(%dma_start3A_205 : memref<128x64xf32, #tpu.memory_space<vmem>>) target(%dma_start3A_201 : memref<128x64xf32, #tpu.memory_space<vmem_shared>>) target_semaphore(%run_scoped3A_193 : memref<!tpu.dma_semaphore, #tpu.memory_space<semaphore_mem>>)
      %dma_wait3A = arith.constant 0 : i32
      %dma_wait3A_206 = arith.constant 0 : i32
      %dma_wait3A_207 = tpu.memref_slice %arg8[%run_scoped3A_61, %dma_wait3A, %dma_wait3A_206] : memref<8x128x64xf32, #tpu.memory_space<vmem>> -> memref<1x128x64xf32, #tpu.memory_space<vmem>>
      %dma_wait3A_208 = tpu.memref_squeeze %dma_wait3A_207 : memref<1x128x64xf32, #tpu.memory_space<vmem>> -> memref<128x64xf32, #tpu.memory_space<vmem>>
      %dma_wait3A_209 = arith.constant 0 : i32
      %dma_wait3A_210 = tpu.memref_slice %arg5[%add3A_60, %dma_wait3A_209] : memref<10240x64xf32, #tpu.memory_space<vmem_shared>> -> memref<128x64xf32, #tpu.memory_space<vmem_shared>>
      %dma_wait3A_211 = arith.constant 0 : i32
      %dma_wait3A_212 = tpu.memref_slice %arg5[%add3A_60, %dma_wait3A_211] : memref<10240x64xf32, #tpu.memory_space<vmem_shared>> -> memref<128x64xf32, #tpu.memory_space<vmem_shared>>
      %dma_wait3A_213 = arith.constant 0 : i32
      %dma_wait3A_214 = arith.constant 0 : i32
      %dma_wait3A_215 = tpu.memref_slice %arg8[%run_scoped3A_61, %dma_wait3A_213, %dma_wait3A_214] : memref<8x128x64xf32, #tpu.memory_space<vmem>> -> memref<1x128x64xf32, #tpu.memory_space<vmem>>
      %dma_wait3A_216 = tpu.memref_squeeze %dma_wait3A_215 : memref<1x128x64xf32, #tpu.memory_space<vmem>> -> memref<128x64xf32, #tpu.memory_space<vmem>>
      tpu.wait_dma2 semaphore(%run_scoped3A_193 : memref<!tpu.dma_semaphore, #tpu.memory_space<semaphore_mem>>) src(%dma_wait3A_216 : memref<128x64xf32, #tpu.memory_space<vmem>>) dst(%dma_wait3A_212 : memref<128x64xf32, #tpu.memory_space<vmem_shared>>)
      tpu.yield
    }) : () -> ()
    %mul3A_62 = arith.constant 640 : i32
    %mul3A_63 = arith.muli %arg1, %mul3A_62 : i32
    %add3A_64 = arith.constant 256 : i32
    %add3A_65 = arith.addi %mul3A_63, %add3A_64 : i32
    %run_scoped3A_66 = arith.constant 0 : i32
    "tpu.region"() ({
      %run_scoped3A_193 = tpu.sem_alloc : memref<!tpu.dma_semaphore, #tpu.memory_space<semaphore_mem>>
      %dma_start3A_194 = arith.constant 0 : i32
      %dma_start3A_195 = arith.constant 0 : i32
      %dma_start3A_196 = tpu.memref_slice %arg8[%run_scoped3A_66, %dma_start3A_194, %dma_start3A_195] : memref<8x128x64xf32, #tpu.memory_space<vmem>> -> memref<1x128x64xf32, #tpu.memory_space<vmem>>
      %dma_start3A_197 = tpu.memref_squeeze %dma_start3A_196 : memref<1x128x64xf32, #tpu.memory_space<vmem>> -> memref<128x64xf32, #tpu.memory_space<vmem>>
      %dma_start3A_198 = arith.constant 0 : i32
      %dma_start3A_199 = tpu.memref_slice %arg5[%add3A_65, %dma_start3A_198] : memref<10240x64xf32, #tpu.memory_space<vmem_shared>> -> memref<128x64xf32, #tpu.memory_space<vmem_shared>>
      %dma_start3A_200 = arith.constant 0 : i32
      %dma_start3A_201 = tpu.memref_slice %arg5[%add3A_65, %dma_start3A_200] : memref<10240x64xf32, #tpu.memory_space<vmem_shared>> -> memref<128x64xf32, #tpu.memory_space<vmem_shared>>
      %dma_start3A_202 = arith.constant 0 : i32
      %dma_start3A_203 = arith.constant 0 : i32
      %dma_start3A_204 = tpu.memref_slice %arg8[%run_scoped3A_66, %dma_start3A_202, %dma_start3A_203] : memref<8x128x64xf32, #tpu.memory_space<vmem>> -> memref<1x128x64xf32, #tpu.memory_space<vmem>>
      %dma_start3A_205 = tpu.memref_squeeze %dma_start3A_204 : memref<1x128x64xf32, #tpu.memory_space<vmem>> -> memref<128x64xf32, #tpu.memory_space<vmem>>
      tpu.enqueue_dma source(%dma_start3A_205 : memref<128x64xf32, #tpu.memory_space<vmem>>) target(%dma_start3A_201 : memref<128x64xf32, #tpu.memory_space<vmem_shared>>) target_semaphore(%run_scoped3A_193 : memref<!tpu.dma_semaphore, #tpu.memory_space<semaphore_mem>>)
      %dma_wait3A = arith.constant 0 : i32
      %dma_wait3A_206 = arith.constant 0 : i32
      %dma_wait3A_207 = tpu.memref_slice %arg8[%run_scoped3A_66, %dma_wait3A, %dma_wait3A_206] : memref<8x128x64xf32, #tpu.memory_space<vmem>> -> memref<1x128x64xf32, #tpu.memory_space<vmem>>
      %dma_wait3A_208 = tpu.memref_squeeze %dma_wait3A_207 : memref<1x128x64xf32, #tpu.memory_space<vmem>> -> memref<128x64xf32, #tpu.memory_space<vmem>>
      %dma_wait3A_209 = arith.constant 0 : i32
      %dma_wait3A_210 = tpu.memref_slice %arg5[%add3A_65, %dma_wait3A_209] : memref<10240x64xf32, #tpu.memory_space<vmem_shared>> -> memref<128x64xf32, #tpu.memory_space<vmem_shared>>
      %dma_wait3A_211 = arith.constant 0 : i32
      %dma_wait3A_212 = tpu.memref_slice %arg5[%add3A_65, %dma_wait3A_211] : memref<10240x64xf32, #tpu.memory_space<vmem_shared>> -> memref<128x64xf32, #tpu.memory_space<vmem_shared>>
      %dma_wait3A_213 = arith.constant 0 : i32
      %dma_wait3A_214 = arith.constant 0 : i32
      %dma_wait3A_215 = tpu.memref_slice %arg8[%run_scoped3A_66, %dma_wait3A_213, %dma_wait3A_214] : memref<8x128x64xf32, #tpu.memory_space<vmem>> -> memref<1x128x64xf32, #tpu.memory_space<vmem>>
      %dma_wait3A_216 = tpu.memref_squeeze %dma_wait3A_215 : memref<1x128x64xf32, #tpu.memory_space<vmem>> -> memref<128x64xf32, #tpu.memory_space<vmem>>
      tpu.wait_dma2 semaphore(%run_scoped3A_193 : memref<!tpu.dma_semaphore, #tpu.memory_space<semaphore_mem>>) src(%dma_wait3A_216 : memref<128x64xf32, #tpu.memory_space<vmem>>) dst(%dma_wait3A_212 : memref<128x64xf32, #tpu.memory_space<vmem_shared>>)
      tpu.yield
    }) : () -> ()
    %mul3A_67 = arith.constant 640 : i32
    %mul3A_68 = arith.muli %arg1, %mul3A_67 : i32
    %add3A_69 = arith.constant 384 : i32
    %add3A_70 = arith.addi %mul3A_68, %add3A_69 : i32
    %run_scoped3A_71 = arith.constant 0 : i32
    "tpu.region"() ({
      %run_scoped3A_193 = tpu.sem_alloc : memref<!tpu.dma_semaphore, #tpu.memory_space<semaphore_mem>>
      %dma_start3A_194 = arith.constant 0 : i32
      %dma_start3A_195 = arith.constant 0 : i32
      %dma_start3A_196 = tpu.memref_slice %arg8[%run_scoped3A_71, %dma_start3A_194, %dma_start3A_195] : memref<8x128x64xf32, #tpu.memory_space<vmem>> -> memref<1x128x64xf32, #tpu.memory_space<vmem>>
      %dma_start3A_197 = tpu.memref_squeeze %dma_start3A_196 : memref<1x128x64xf32, #tpu.memory_space<vmem>> -> memref<128x64xf32, #tpu.memory_space<vmem>>
      %dma_start3A_198 = arith.constant 0 : i32
      %dma_start3A_199 = tpu.memref_slice %arg5[%add3A_70, %dma_start3A_198] : memref<10240x64xf32, #tpu.memory_space<vmem_shared>> -> memref<128x64xf32, #tpu.memory_space<vmem_shared>>
      %dma_start3A_200 = arith.constant 0 : i32
      %dma_start3A_201 = tpu.memref_slice %arg5[%add3A_70, %dma_start3A_200] : memref<10240x64xf32, #tpu.memory_space<vmem_shared>> -> memref<128x64xf32, #tpu.memory_space<vmem_shared>>
      %dma_start3A_202 = arith.constant 0 : i32
      %dma_start3A_203 = arith.constant 0 : i32
      %dma_start3A_204 = tpu.memref_slice %arg8[%run_scoped3A_71, %dma_start3A_202, %dma_start3A_203] : memref<8x128x64xf32, #tpu.memory_space<vmem>> -> memref<1x128x64xf32, #tpu.memory_space<vmem>>
      %dma_start3A_205 = tpu.memref_squeeze %dma_start3A_204 : memref<1x128x64xf32, #tpu.memory_space<vmem>> -> memref<128x64xf32, #tpu.memory_space<vmem>>
      tpu.enqueue_dma source(%dma_start3A_205 : memref<128x64xf32, #tpu.memory_space<vmem>>) target(%dma_start3A_201 : memref<128x64xf32, #tpu.memory_space<vmem_shared>>) target_semaphore(%run_scoped3A_193 : memref<!tpu.dma_semaphore, #tpu.memory_space<semaphore_mem>>)
      %dma_wait3A = arith.constant 0 : i32
      %dma_wait3A_206 = arith.constant 0 : i32
      %dma_wait3A_207 = tpu.memref_slice %arg8[%run_scoped3A_71, %dma_wait3A, %dma_wait3A_206] : memref<8x128x64xf32, #tpu.memory_space<vmem>> -> memref<1x128x64xf32, #tpu.memory_space<vmem>>
      %dma_wait3A_208 = tpu.memref_squeeze %dma_wait3A_207 : memref<1x128x64xf32, #tpu.memory_space<vmem>> -> memref<128x64xf32, #tpu.memory_space<vmem>>
      %dma_wait3A_209 = arith.constant 0 : i32
      %dma_wait3A_210 = tpu.memref_slice %arg5[%add3A_70, %dma_wait3A_209] : memref<10240x64xf32, #tpu.memory_space<vmem_shared>> -> memref<128x64xf32, #tpu.memory_space<vmem_shared>>
      %dma_wait3A_211 = arith.constant 0 : i32
      %dma_wait3A_212 = tpu.memref_slice %arg5[%add3A_70, %dma_wait3A_211] : memref<10240x64xf32, #tpu.memory_space<vmem_shared>> -> memref<128x64xf32, #tpu.memory_space<vmem_shared>>
      %dma_wait3A_213 = arith.constant 0 : i32
      %dma_wait3A_214 = arith.constant 0 : i32
      %dma_wait3A_215 = tpu.memref_slice %arg8[%run_scoped3A_71, %dma_wait3A_213, %dma_wait3A_214] : memref<8x128x64xf32, #tpu.memory_space<vmem>> -> memref<1x128x64xf32, #tpu.memory_space<vmem>>
      %dma_wait3A_216 = tpu.memref_squeeze %dma_wait3A_215 : memref<1x128x64xf32, #tpu.memory_space<vmem>> -> memref<128x64xf32, #tpu.memory_space<vmem>>
      tpu.wait_dma2 semaphore(%run_scoped3A_193 : memref<!tpu.dma_semaphore, #tpu.memory_space<semaphore_mem>>) src(%dma_wait3A_216 : memref<128x64xf32, #tpu.memory_space<vmem>>) dst(%dma_wait3A_212 : memref<128x64xf32, #tpu.memory_space<vmem_shared>>)
      tpu.yield
    }) : () -> ()
    %mul3A_72 = arith.constant 640 : i32
    %mul3A_73 = arith.muli %arg1, %mul3A_72 : i32
    %add3A_74 = arith.constant 512 : i32
    %add3A_75 = arith.addi %mul3A_73, %add3A_74 : i32
    %run_scoped3A_76 = arith.constant 0 : i32
    "tpu.region"() ({
      %run_scoped3A_193 = tpu.sem_alloc : memref<!tpu.dma_semaphore, #tpu.memory_space<semaphore_mem>>
      %dma_start3A_194 = arith.constant 0 : i32
      %dma_start3A_195 = arith.constant 0 : i32
      %dma_start3A_196 = tpu.memref_slice %arg8[%run_scoped3A_76, %dma_start3A_194, %dma_start3A_195] : memref<8x128x64xf32, #tpu.memory_space<vmem>> -> memref<1x128x64xf32, #tpu.memory_space<vmem>>
      %dma_start3A_197 = tpu.memref_squeeze %dma_start3A_196 : memref<1x128x64xf32, #tpu.memory_space<vmem>> -> memref<128x64xf32, #tpu.memory_space<vmem>>
      %dma_start3A_198 = arith.constant 0 : i32
      %dma_start3A_199 = tpu.memref_slice %arg5[%add3A_75, %dma_start3A_198] : memref<10240x64xf32, #tpu.memory_space<vmem_shared>> -> memref<128x64xf32, #tpu.memory_space<vmem_shared>>
      %dma_start3A_200 = arith.constant 0 : i32
      %dma_start3A_201 = tpu.memref_slice %arg5[%add3A_75, %dma_start3A_200] : memref<10240x64xf32, #tpu.memory_space<vmem_shared>> -> memref<128x64xf32, #tpu.memory_space<vmem_shared>>
      %dma_start3A_202 = arith.constant 0 : i32
      %dma_start3A_203 = arith.constant 0 : i32
      %dma_start3A_204 = tpu.memref_slice %arg8[%run_scoped3A_76, %dma_start3A_202, %dma_start3A_203] : memref<8x128x64xf32, #tpu.memory_space<vmem>> -> memref<1x128x64xf32, #tpu.memory_space<vmem>>
      %dma_start3A_205 = tpu.memref_squeeze %dma_start3A_204 : memref<1x128x64xf32, #tpu.memory_space<vmem>> -> memref<128x64xf32, #tpu.memory_space<vmem>>
      tpu.enqueue_dma source(%dma_start3A_205 : memref<128x64xf32, #tpu.memory_space<vmem>>) target(%dma_start3A_201 : memref<128x64xf32, #tpu.memory_space<vmem_shared>>) target_semaphore(%run_scoped3A_193 : memref<!tpu.dma_semaphore, #tpu.memory_space<semaphore_mem>>)
      %dma_wait3A = arith.constant 0 : i32
      %dma_wait3A_206 = arith.constant 0 : i32
      %dma_wait3A_207 = tpu.memref_slice %arg8[%run_scoped3A_76, %dma_wait3A, %dma_wait3A_206] : memref<8x128x64xf32, #tpu.memory_space<vmem>> -> memref<1x128x64xf32, #tpu.memory_space<vmem>>
      %dma_wait3A_208 = tpu.memref_squeeze %dma_wait3A_207 : memref<1x128x64xf32, #tpu.memory_space<vmem>> -> memref<128x64xf32, #tpu.memory_space<vmem>>
      %dma_wait3A_209 = arith.constant 0 : i32
      %dma_wait3A_210 = tpu.memref_slice %arg5[%add3A_75, %dma_wait3A_209] : memref<10240x64xf32, #tpu.memory_space<vmem_shared>> -> memref<128x64xf32, #tpu.memory_space<vmem_shared>>
      %dma_wait3A_211 = arith.constant 0 : i32
      %dma_wait3A_212 = tpu.memref_slice %arg5[%add3A_75, %dma_wait3A_211] : memref<10240x64xf32, #tpu.memory_space<vmem_shared>> -> memref<128x64xf32, #tpu.memory_space<vmem_shared>>
      %dma_wait3A_213 = arith.constant 0 : i32
      %dma_wait3A_214 = arith.constant 0 : i32
      %dma_wait3A_215 = tpu.memref_slice %arg8[%run_scoped3A_76, %dma_wait3A_213, %dma_wait3A_214] : memref<8x128x64xf32, #tpu.memory_space<vmem>> -> memref<1x128x64xf32, #tpu.memory_space<vmem>>
      %dma_wait3A_216 = tpu.memref_squeeze %dma_wait3A_215 : memref<1x128x64xf32, #tpu.memory_space<vmem>> -> memref<128x64xf32, #tpu.memory_space<vmem>>
      tpu.wait_dma2 semaphore(%run_scoped3A_193 : memref<!tpu.dma_semaphore, #tpu.memory_space<semaphore_mem>>) src(%dma_wait3A_216 : memref<128x64xf32, #tpu.memory_space<vmem>>) dst(%dma_wait3A_212 : memref<128x64xf32, #tpu.memory_space<vmem_shared>>)
      tpu.yield
    }) : () -> ()
    %barrier3A = arith.constant 0 : index
    tpu.barrier barrier_id(%barrier3A)
    %dma_start3A = arith.constant 0 : i32
    %dma_start3A_77 = arith.constant 0 : i32
    %dma_start3A_78 = arith.constant 0 : i32
    %dma_start3A_79 = arith.constant 0 : i32
    %dma_start3A_80 = tpu.memref_slice %arg8[%dma_start3A_77, %dma_start3A_78, %dma_start3A_79] : memref<8x128x64xf32, #tpu.memory_space<vmem>> -> memref<1x128x64xf32, #tpu.memory_space<vmem>>
    %dma_start3A_81 = tpu.memref_squeeze %dma_start3A_80 : memref<1x128x64xf32, #tpu.memory_space<vmem>> -> memref<128x64xf32, #tpu.memory_space<vmem>>
    %dma_start3A_82 = arith.constant 0 : i32
    %dma_start3A_83 = tpu.memref_slice %arg6[%dma_start3A, %dma_start3A_82] : memref<79x128xi32, #tpu.memory_space<vmem>> -> memref<1x128xi32, #tpu.memory_space<vmem>>
    %dma_start3A_84 = tpu.memref_squeeze %dma_start3A_83 : memref<1x128xi32, #tpu.memory_space<vmem>> -> memref<128xi32, #tpu.memory_space<vmem>>
    %dma_start3A_85 = arith.constant 0 : i32
    %dma_start3A_86 = arith.constant 0 : i32
    %dma_start3A_87 = tpu.memref_slice %arg2[%dma_start3A_85, %dma_start3A_86] : memref<10240x64xf32, #tpu.memory_space<hbm>> -> memref<10240x64xf32, #tpu.memory_space<hbm>>
    tpu.enqueue_indirect_dma source(%dma_start3A_87 : memref<10240x64xf32, #tpu.memory_space<hbm>>) target(%dma_start3A_81 : memref<128x64xf32, #tpu.memory_space<vmem>>) offsets(%dma_start3A_84 : memref<128xi32, #tpu.memory_space<vmem>>) semaphore(%arg10 : memref<!tpu.dma_semaphore, #tpu.memory_space<semaphore_mem>>)
    %dma_start3A_88 = arith.constant 1 : i32
    %dma_start3A_89 = arith.constant 1 : i32
    %dma_start3A_90 = arith.constant 0 : i32
    %dma_start3A_91 = arith.constant 0 : i32
    %dma_start3A_92 = tpu.memref_slice %arg8[%dma_start3A_89, %dma_start3A_90, %dma_start3A_91] : memref<8x128x64xf32, #tpu.memory_space<vmem>> -> memref<1x128x64xf32, #tpu.memory_space<vmem>>
    %dma_start3A_93 = tpu.memref_squeeze %dma_start3A_92 : memref<1x128x64xf32, #tpu.memory_space<vmem>> -> memref<128x64xf32, #tpu.memory_space<vmem>>
    %dma_start3A_94 = arith.constant 0 : i32
    %dma_start3A_95 = tpu.memref_slice %arg6[%dma_start3A_88, %dma_start3A_94] : memref<79x128xi32, #tpu.memory_space<vmem>> -> memref<1x128xi32, #tpu.memory_space<vmem>>
    %dma_start3A_96 = tpu.memref_squeeze %dma_start3A_95 : memref<1x128xi32, #tpu.memory_space<vmem>> -> memref<128xi32, #tpu.memory_space<vmem>>
    %dma_start3A_97 = arith.constant 0 : i32
    %dma_start3A_98 = arith.constant 0 : i32
    %dma_start3A_99 = tpu.memref_slice %arg2[%dma_start3A_97, %dma_start3A_98] : memref<10240x64xf32, #tpu.memory_space<hbm>> -> memref<10240x64xf32, #tpu.memory_space<hbm>>
    tpu.enqueue_indirect_dma source(%dma_start3A_99 : memref<10240x64xf32, #tpu.memory_space<hbm>>) target(%dma_start3A_93 : memref<128x64xf32, #tpu.memory_space<vmem>>) offsets(%dma_start3A_96 : memref<128xi32, #tpu.memory_space<vmem>>) semaphore(%arg10 : memref<!tpu.dma_semaphore, #tpu.memory_space<semaphore_mem>>)
    %dma_start3A_100 = arith.constant 2 : i32
    %dma_start3A_101 = arith.constant 2 : i32
    %dma_start3A_102 = arith.constant 0 : i32
    %dma_start3A_103 = arith.constant 0 : i32
    %dma_start3A_104 = tpu.memref_slice %arg8[%dma_start3A_101, %dma_start3A_102, %dma_start3A_103] : memref<8x128x64xf32, #tpu.memory_space<vmem>> -> memref<1x128x64xf32, #tpu.memory_space<vmem>>
    %dma_start3A_105 = tpu.memref_squeeze %dma_start3A_104 : memref<1x128x64xf32, #tpu.memory_space<vmem>> -> memref<128x64xf32, #tpu.memory_space<vmem>>
    %dma_start3A_106 = arith.constant 0 : i32
    %dma_start3A_107 = tpu.memref_slice %arg6[%dma_start3A_100, %dma_start3A_106] : memref<79x128xi32, #tpu.memory_space<vmem>> -> memref<1x128xi32, #tpu.memory_space<vmem>>
    %dma_start3A_108 = tpu.memref_squeeze %dma_start3A_107 : memref<1x128xi32, #tpu.memory_space<vmem>> -> memref<128xi32, #tpu.memory_space<vmem>>
    %dma_start3A_109 = arith.constant 0 : i32
    %dma_start3A_110 = arith.constant 0 : i32
    %dma_start3A_111 = tpu.memref_slice %arg2[%dma_start3A_109, %dma_start3A_110] : memref<10240x64xf32, #tpu.memory_space<hbm>> -> memref<10240x64xf32, #tpu.memory_space<hbm>>
    tpu.enqueue_indirect_dma source(%dma_start3A_111 : memref<10240x64xf32, #tpu.memory_space<hbm>>) target(%dma_start3A_105 : memref<128x64xf32, #tpu.memory_space<vmem>>) offsets(%dma_start3A_108 : memref<128xi32, #tpu.memory_space<vmem>>) semaphore(%arg10 : memref<!tpu.dma_semaphore, #tpu.memory_space<semaphore_mem>>)
    %dma_start3A_112 = arith.constant 3 : i32
    %dma_start3A_113 = arith.constant 3 : i32
    %dma_start3A_114 = arith.constant 0 : i32
    %dma_start3A_115 = arith.constant 0 : i32
    %dma_start3A_116 = tpu.memref_slice %arg8[%dma_start3A_113, %dma_start3A_114, %dma_start3A_115] : memref<8x128x64xf32, #tpu.memory_space<vmem>> -> memref<1x128x64xf32, #tpu.memory_space<vmem>>
    %dma_start3A_117 = tpu.memref_squeeze %dma_start3A_116 : memref<1x128x64xf32, #tpu.memory_space<vmem>> -> memref<128x64xf32, #tpu.memory_space<vmem>>
    %dma_start3A_118 = arith.constant 0 : i32
    %dma_start3A_119 = tpu.memref_slice %arg6[%dma_start3A_112, %dma_start3A_118] : memref<79x128xi32, #tpu.memory_space<vmem>> -> memref<1x128xi32, #tpu.memory_space<vmem>>
    %dma_start3A_120 = tpu.memref_squeeze %dma_start3A_119 : memref<1x128xi32, #tpu.memory_space<vmem>> -> memref<128xi32, #tpu.memory_space<vmem>>
    %dma_start3A_121 = arith.constant 0 : i32
    %dma_start3A_122 = arith.constant 0 : i32
    %dma_start3A_123 = tpu.memref_slice %arg2[%dma_start3A_121, %dma_start3A_122] : memref<10240x64xf32, #tpu.memory_space<hbm>> -> memref<10240x64xf32, #tpu.memory_space<hbm>>
    tpu.enqueue_indirect_dma source(%dma_start3A_123 : memref<10240x64xf32, #tpu.memory_space<hbm>>) target(%dma_start3A_117 : memref<128x64xf32, #tpu.memory_space<vmem>>) offsets(%dma_start3A_120 : memref<128xi32, #tpu.memory_space<vmem>>) semaphore(%arg10 : memref<!tpu.dma_semaphore, #tpu.memory_space<semaphore_mem>>)
    %dma_start3A_124 = arith.constant 4 : i32
    %dma_start3A_125 = arith.constant 4 : i32
    %dma_start3A_126 = arith.constant 0 : i32
    %dma_start3A_127 = arith.constant 0 : i32
    %dma_start3A_128 = tpu.memref_slice %arg8[%dma_start3A_125, %dma_start3A_126, %dma_start3A_127] : memref<8x128x64xf32, #tpu.memory_space<vmem>> -> memref<1x128x64xf32, #tpu.memory_space<vmem>>
    %dma_start3A_129 = tpu.memref_squeeze %dma_start3A_128 : memref<1x128x64xf32, #tpu.memory_space<vmem>> -> memref<128x64xf32, #tpu.memory_space<vmem>>
    %dma_start3A_130 = arith.constant 0 : i32
    %dma_start3A_131 = tpu.memref_slice %arg6[%dma_start3A_124, %dma_start3A_130] : memref<79x128xi32, #tpu.memory_space<vmem>> -> memref<1x128xi32, #tpu.memory_space<vmem>>
    %dma_start3A_132 = tpu.memref_squeeze %dma_start3A_131 : memref<1x128xi32, #tpu.memory_space<vmem>> -> memref<128xi32, #tpu.memory_space<vmem>>
    %dma_start3A_133 = arith.constant 0 : i32
    %dma_start3A_134 = arith.constant 0 : i32
    %dma_start3A_135 = tpu.memref_slice %arg2[%dma_start3A_133, %dma_start3A_134] : memref<10240x64xf32, #tpu.memory_space<hbm>> -> memref<10240x64xf32, #tpu.memory_space<hbm>>
    tpu.enqueue_indirect_dma source(%dma_start3A_135 : memref<10240x64xf32, #tpu.memory_space<hbm>>) target(%dma_start3A_129 : memref<128x64xf32, #tpu.memory_space<vmem>>) offsets(%dma_start3A_132 : memref<128xi32, #tpu.memory_space<vmem>>) semaphore(%arg10 : memref<!tpu.dma_semaphore, #tpu.memory_space<semaphore_mem>>)
    %dma_start3A_136 = arith.constant 5 : i32
    %dma_start3A_137 = arith.constant 5 : i32
    %dma_start3A_138 = arith.constant 0 : i32
    %dma_start3A_139 = arith.constant 0 : i32
    %dma_start3A_140 = tpu.memref_slice %arg8[%dma_start3A_137, %dma_start3A_138, %dma_start3A_139] : memref<8x128x64xf32, #tpu.memory_space<vmem>> -> memref<1x128x64xf32, #tpu.memory_space<vmem>>
    %dma_start3A_141 = tpu.memref_squeeze %dma_start3A_140 : memref<1x128x64xf32, #tpu.memory_space<vmem>> -> memref<128x64xf32, #tpu.memory_space<vmem>>
    %dma_start3A_142 = arith.constant 0 : i32
    %dma_start3A_143 = tpu.memref_slice %arg6[%dma_start3A_136, %dma_start3A_142] : memref<79x128xi32, #tpu.memory_space<vmem>> -> memref<1x128xi32, #tpu.memory_space<vmem>>
    %dma_start3A_144 = tpu.memref_squeeze %dma_start3A_143 : memref<1x128xi32, #tpu.memory_space<vmem>> -> memref<128xi32, #tpu.memory_space<vmem>>
    %dma_start3A_145 = arith.constant 0 : i32
    %dma_start3A_146 = arith.constant 0 : i32
    %dma_start3A_147 = tpu.memref_slice %arg2[%dma_start3A_145, %dma_start3A_146] : memref<10240x64xf32, #tpu.memory_space<hbm>> -> memref<10240x64xf32, #tpu.memory_space<hbm>>
    tpu.enqueue_indirect_dma source(%dma_start3A_147 : memref<10240x64xf32, #tpu.memory_space<hbm>>) target(%dma_start3A_141 : memref<128x64xf32, #tpu.memory_space<vmem>>) offsets(%dma_start3A_144 : memref<128xi32, #tpu.memory_space<vmem>>) semaphore(%arg10 : memref<!tpu.dma_semaphore, #tpu.memory_space<semaphore_mem>>)
    %dma_start3A_148 = arith.constant 6 : i32
    %dma_start3A_149 = arith.constant 6 : i32
    %dma_start3A_150 = arith.constant 0 : i32
    %dma_start3A_151 = arith.constant 0 : i32
    %dma_start3A_152 = tpu.memref_slice %arg8[%dma_start3A_149, %dma_start3A_150, %dma_start3A_151] : memref<8x128x64xf32, #tpu.memory_space<vmem>> -> memref<1x128x64xf32, #tpu.memory_space<vmem>>
    %dma_start3A_153 = tpu.memref_squeeze %dma_start3A_152 : memref<1x128x64xf32, #tpu.memory_space<vmem>> -> memref<128x64xf32, #tpu.memory_space<vmem>>
    %dma_start3A_154 = arith.constant 0 : i32
    %dma_start3A_155 = tpu.memref_slice %arg6[%dma_start3A_148, %dma_start3A_154] : memref<79x128xi32, #tpu.memory_space<vmem>> -> memref<1x128xi32, #tpu.memory_space<vmem>>
    %dma_start3A_156 = tpu.memref_squeeze %dma_start3A_155 : memref<1x128xi32, #tpu.memory_space<vmem>> -> memref<128xi32, #tpu.memory_space<vmem>>
    %dma_start3A_157 = arith.constant 0 : i32
    %dma_start3A_158 = arith.constant 0 : i32
    %dma_start3A_159 = tpu.memref_slice %arg2[%dma_start3A_157, %dma_start3A_158] : memref<10240x64xf32, #tpu.memory_space<hbm>> -> memref<10240x64xf32, #tpu.memory_space<hbm>>
    tpu.enqueue_indirect_dma source(%dma_start3A_159 : memref<10240x64xf32, #tpu.memory_space<hbm>>) target(%dma_start3A_153 : memref<128x64xf32, #tpu.memory_space<vmem>>) offsets(%dma_start3A_156 : memref<128xi32, #tpu.memory_space<vmem>>) semaphore(%arg10 : memref<!tpu.dma_semaphore, #tpu.memory_space<semaphore_mem>>)
    %dma_start3A_160 = arith.constant 7 : i32
    %dma_start3A_161 = arith.constant 7 : i32
    %dma_start3A_162 = arith.constant 0 : i32
    %dma_start3A_163 = arith.constant 0 : i32
    %dma_start3A_164 = tpu.memref_slice %arg8[%dma_start3A_161, %dma_start3A_162, %dma_start3A_163] : memref<8x128x64xf32, #tpu.memory_space<vmem>> -> memref<1x128x64xf32, #tpu.memory_space<vmem>>
    %dma_start3A_165 = tpu.memref_squeeze %dma_start3A_164 : memref<1x128x64xf32, #tpu.memory_space<vmem>> -> memref<128x64xf32, #tpu.memory_space<vmem>>
    %dma_start3A_166 = arith.constant 0 : i32
    %dma_start3A_167 = tpu.memref_slice %arg6[%dma_start3A_160, %dma_start3A_166] : memref<79x128xi32, #tpu.memory_space<vmem>> -> memref<1x128xi32, #tpu.memory_space<vmem>>
    %dma_start3A_168 = tpu.memref_squeeze %dma_start3A_167 : memref<1x128xi32, #tpu.memory_space<vmem>> -> memref<128xi32, #tpu.memory_space<vmem>>
    %dma_start3A_169 = arith.constant 0 : i32
    %dma_start3A_170 = arith.constant 0 : i32
    %dma_start3A_171 = tpu.memref_slice %arg2[%dma_start3A_169, %dma_start3A_170] : memref<10240x64xf32, #tpu.memory_space<hbm>> -> memref<10240x64xf32, #tpu.memory_space<hbm>>
    tpu.enqueue_indirect_dma source(%dma_start3A_171 : memref<10240x64xf32, #tpu.memory_space<hbm>>) target(%dma_start3A_165 : memref<128x64xf32, #tpu.memory_space<vmem>>) offsets(%dma_start3A_168 : memref<128xi32, #tpu.memory_space<vmem>>) semaphore(%arg10 : memref<!tpu.dma_semaphore, #tpu.memory_space<semaphore_mem>>)
    %scan3A_172 = arith.constant 0 : i32
    %scan3A_173 = arith.constant 0 : i32
    %scan3A_174 = arith.constant 38 : i32
    %scan3A_175 = arith.addi %scan3A_173, %scan3A_174 : i32
    %scan3A_176 = arith.constant 1 : i32
    scf.for %scan3A_193 = %scan3A_173 to %scan3A_175 step %scan3A_176  : i32 {
      %rem3A = arith.constant 4 : i32
      %rem3A_194 = arith.remsi %scan3A_193, %rem3A : i32
      %mul3A_195 = arith.constant 2 : i32
      %mul3A_196 = arith.muli %scan3A_193, %mul3A_195 : i32
      %mul3A_197 = arith.constant 2 : i32
      %mul3A_198 = arith.muli %rem3A_194, %mul3A_197 : i32
      %add3A_199 = arith.constant 0 : i32
      %add3A_200 = arith.addi %mul3A_196, %add3A_199 : i32
      %add3A_201 = arith.constant 0 : i32
      %add3A_202 = arith.addi %mul3A_198, %add3A_201 : i32
      %dma_wait3A = arith.constant 0 : i32
      %dma_wait3A_203 = arith.constant 0 : i32
      %dma_wait3A_204 = tpu.memref_slice %arg8[%add3A_202, %dma_wait3A, %dma_wait3A_203] : memref<8x128x64xf32, #tpu.memory_space<vmem>> -> memref<1x128x64xf32, #tpu.memory_space<vmem>>
      %dma_wait3A_205 = tpu.memref_squeeze %dma_wait3A_204 : memref<1x128x64xf32, #tpu.memory_space<vmem>> -> memref<128x64xf32, #tpu.memory_space<vmem>>
      %dma_wait3A_206 = arith.constant 0 : i32
      %dma_wait3A_207 = tpu.memref_slice %arg6[%add3A_200, %dma_wait3A_206] : memref<79x128xi32, #tpu.memory_space<vmem>> -> memref<1x128xi32, #tpu.memory_space<vmem>>
      %dma_wait3A_208 = tpu.memref_squeeze %dma_wait3A_207 : memref<1x128xi32, #tpu.memory_space<vmem>> -> memref<128xi32, #tpu.memory_space<vmem>>
      %dma_wait3A_209 = arith.constant 0 : i32
      %dma_wait3A_210 = arith.constant 0 : i32
      %dma_wait3A_211 = tpu.memref_slice %arg2[%dma_wait3A_209, %dma_wait3A_210] : memref<10240x64xf32, #tpu.memory_space<hbm>> -> memref<10240x64xf32, #tpu.memory_space<hbm>>
      tpu.wait_indirect_dma semaphore(%arg10 : memref<!tpu.dma_semaphore, #tpu.memory_space<semaphore_mem>>) src(%dma_wait3A_211 : memref<10240x64xf32, #tpu.memory_space<hbm>>) dst(%dma_wait3A_205 : memref<128x64xf32, #tpu.memory_space<vmem>>)
      %add3A_212 = arith.constant 1 : i32
      %add3A_213 = arith.addi %mul3A_196, %add3A_212 : i32
      %add3A_214 = arith.constant 1 : i32
      %add3A_215 = arith.addi %mul3A_198, %add3A_214 : i32
      %dma_wait3A_216 = arith.constant 0 : i32
      %dma_wait3A_217 = arith.constant 0 : i32
      %dma_wait3A_218 = tpu.memref_slice %arg8[%add3A_215, %dma_wait3A_216, %dma_wait3A_217] : memref<8x128x64xf32, #tpu.memory_space<vmem>> -> memref<1x128x64xf32, #tpu.memory_space<vmem>>
      %dma_wait3A_219 = tpu.memref_squeeze %dma_wait3A_218 : memref<1x128x64xf32, #tpu.memory_space<vmem>> -> memref<128x64xf32, #tpu.memory_space<vmem>>
      %dma_wait3A_220 = arith.constant 0 : i32
      %dma_wait3A_221 = tpu.memref_slice %arg6[%add3A_213, %dma_wait3A_220] : memref<79x128xi32, #tpu.memory_space<vmem>> -> memref<1x128xi32, #tpu.memory_space<vmem>>
      %dma_wait3A_222 = tpu.memref_squeeze %dma_wait3A_221 : memref<1x128xi32, #tpu.memory_space<vmem>> -> memref<128xi32, #tpu.memory_space<vmem>>
      %dma_wait3A_223 = arith.constant 0 : i32
      %dma_wait3A_224 = arith.constant 0 : i32
      %dma_wait3A_225 = tpu.memref_slice %arg2[%dma_wait3A_223, %dma_wait3A_224] : memref<10240x64xf32, #tpu.memory_space<hbm>> -> memref<10240x64xf32, #tpu.memory_space<hbm>>
      tpu.wait_indirect_dma semaphore(%arg10 : memref<!tpu.dma_semaphore, #tpu.memory_space<semaphore_mem>>) src(%dma_wait3A_225 : memref<10240x64xf32, #tpu.memory_space<hbm>>) dst(%dma_wait3A_219 : memref<128x64xf32, #tpu.memory_space<vmem>>)
      %add3A_226 = arith.constant 0 : i32
      %add3A_227 = arith.addi %mul3A_198, %add3A_226 : i32
      %add3A_228 = arith.constant 0 : i32
      %add3A_229 = arith.addi %mul3A_196, %add3A_228 : i32
      %dma_start3A_230 = arith.constant 0 : i32
      %dma_start3A_231 = arith.constant 0 : i32
      %dma_start3A_232 = tpu.memref_slice %arg8[%add3A_227, %dma_start3A_230, %dma_start3A_231] : memref<8x128x64xf32, #tpu.memory_space<vmem>> -> memref<1x128x64xf32, #tpu.memory_space<vmem>>
      %dma_start3A_233 = tpu.memref_squeeze %dma_start3A_232 : memref<1x128x64xf32, #tpu.memory_space<vmem>> -> memref<128x64xf32, #tpu.memory_space<vmem>>
      %dma_start3A_234 = arith.constant 0 : i32
      %dma_start3A_235 = tpu.memref_slice %arg7[%add3A_229, %dma_start3A_234] : memref<79x128xi32, #tpu.memory_space<vmem>> -> memref<1x128xi32, #tpu.memory_space<vmem>>
      %dma_start3A_236 = tpu.memref_squeeze %dma_start3A_235 : memref<1x128xi32, #tpu.memory_space<vmem>> -> memref<128xi32, #tpu.memory_space<vmem>>
      %dma_start3A_237 = arith.constant 0 : i32
      %dma_start3A_238 = arith.constant 0 : i32
      %dma_start3A_239 = tpu.memref_slice %arg5[%dma_start3A_237, %dma_start3A_238] : memref<10240x64xf32, #tpu.memory_space<vmem_shared>> -> memref<10240x64xf32, #tpu.memory_space<vmem_shared>>
      tpu.enqueue_indirect_dma source(%dma_start3A_233 : memref<128x64xf32, #tpu.memory_space<vmem>>) target(%dma_start3A_239 : memref<10240x64xf32, #tpu.memory_space<vmem_shared>>) offsets(%dma_start3A_236 : memref<128xi32, #tpu.memory_space<vmem>>) semaphore(%arg11 : memref<!tpu.dma_semaphore, #tpu.memory_space<semaphore_mem>>) {add = true}
      %add3A_240 = arith.constant 1 : i32
      %add3A_241 = arith.addi %mul3A_198, %add3A_240 : i32
      %add3A_242 = arith.constant 1 : i32
      %add3A_243 = arith.addi %mul3A_196, %add3A_242 : i32
      %dma_start3A_244 = arith.constant 0 : i32
      %dma_start3A_245 = arith.constant 0 : i32
      %dma_start3A_246 = tpu.memref_slice %arg8[%add3A_241, %dma_start3A_244, %dma_start3A_245] : memref<8x128x64xf32, #tpu.memory_space<vmem>> -> memref<1x128x64xf32, #tpu.memory_space<vmem>>
      %dma_start3A_247 = tpu.memref_squeeze %dma_start3A_246 : memref<1x128x64xf32, #tpu.memory_space<vmem>> -> memref<128x64xf32, #tpu.memory_space<vmem>>
      %dma_start3A_248 = arith.constant 0 : i32
      %dma_start3A_249 = tpu.memref_slice %arg7[%add3A_243, %dma_start3A_248] : memref<79x128xi32, #tpu.memory_space<vmem>> -> memref<1x128xi32, #tpu.memory_space<vmem>>
      %dma_start3A_250 = tpu.memref_squeeze %dma_start3A_249 : memref<1x128xi32, #tpu.memory_space<vmem>> -> memref<128xi32, #tpu.memory_space<vmem>>
      %dma_start3A_251 = arith.constant 0 : i32
      %dma_start3A_252 = arith.constant 0 : i32
      %dma_start3A_253 = tpu.memref_slice %arg5[%dma_start3A_251, %dma_start3A_252] : memref<10240x64xf32, #tpu.memory_space<vmem_shared>> -> memref<10240x64xf32, #tpu.memory_space<vmem_shared>>
      tpu.enqueue_indirect_dma source(%dma_start3A_247 : memref<128x64xf32, #tpu.memory_space<vmem>>) target(%dma_start3A_253 : memref<10240x64xf32, #tpu.memory_space<vmem_shared>>) offsets(%dma_start3A_250 : memref<128xi32, #tpu.memory_space<vmem>>) semaphore(%arg11 : memref<!tpu.dma_semaphore, #tpu.memory_space<semaphore_mem>>) {add = true}
      %dma_wait3A_254 = arith.constant 0 : i32
      %dma_wait3A_255 = arith.constant 0 : i32
      %dma_wait3A_256 = tpu.memref_slice %arg8[%add3A_227, %dma_wait3A_254, %dma_wait3A_255] : memref<8x128x64xf32, #tpu.memory_space<vmem>> -> memref<1x128x64xf32, #tpu.memory_space<vmem>>
      %dma_wait3A_257 = tpu.memref_squeeze %dma_wait3A_256 : memref<1x128x64xf32, #tpu.memory_space<vmem>> -> memref<128x64xf32, #tpu.memory_space<vmem>>
      %dma_wait3A_258 = arith.constant 0 : i32
      %dma_wait3A_259 = tpu.memref_slice %arg7[%add3A_229, %dma_wait3A_258] : memref<79x128xi32, #tpu.memory_space<vmem>> -> memref<1x128xi32, #tpu.memory_space<vmem>>
      %dma_wait3A_260 = tpu.memref_squeeze %dma_wait3A_259 : memref<1x128xi32, #tpu.memory_space<vmem>> -> memref<128xi32, #tpu.memory_space<vmem>>
      %dma_wait3A_261 = arith.constant 0 : i32
      %dma_wait3A_262 = arith.constant 0 : i32
      %dma_wait3A_263 = tpu.memref_slice %arg5[%dma_wait3A_261, %dma_wait3A_262] : memref<10240x64xf32, #tpu.memory_space<vmem_shared>> -> memref<10240x64xf32, #tpu.memory_space<vmem_shared>>
      tpu.wait_indirect_dma semaphore(%arg11 : memref<!tpu.dma_semaphore, #tpu.memory_space<semaphore_mem>>) src(%dma_wait3A_257 : memref<128x64xf32, #tpu.memory_space<vmem>>) dst(%dma_wait3A_263 : memref<10240x64xf32, #tpu.memory_space<vmem_shared>>)
      %dma_wait3A_264 = arith.constant 0 : i32
      %dma_wait3A_265 = arith.constant 0 : i32
      %dma_wait3A_266 = tpu.memref_slice %arg8[%add3A_241, %dma_wait3A_264, %dma_wait3A_265] : memref<8x128x64xf32, #tpu.memory_space<vmem>> -> memref<1x128x64xf32, #tpu.memory_space<vmem>>
      %dma_wait3A_267 = tpu.memref_squeeze %dma_wait3A_266 : memref<1x128x64xf32, #tpu.memory_space<vmem>> -> memref<128x64xf32, #tpu.memory_space<vmem>>
      %dma_wait3A_268 = arith.constant 0 : i32
      %dma_wait3A_269 = tpu.memref_slice %arg7[%add3A_243, %dma_wait3A_268] : memref<79x128xi32, #tpu.memory_space<vmem>> -> memref<1x128xi32, #tpu.memory_space<vmem>>
      %dma_wait3A_270 = tpu.memref_squeeze %dma_wait3A_269 : memref<1x128xi32, #tpu.memory_space<vmem>> -> memref<128xi32, #tpu.memory_space<vmem>>
      %dma_wait3A_271 = arith.constant 0 : i32
      %dma_wait3A_272 = arith.constant 0 : i32
      %dma_wait3A_273 = tpu.memref_slice %arg5[%dma_wait3A_271, %dma_wait3A_272] : memref<10240x64xf32, #tpu.memory_space<vmem_shared>> -> memref<10240x64xf32, #tpu.memory_space<vmem_shared>>
      tpu.wait_indirect_dma semaphore(%arg11 : memref<!tpu.dma_semaphore, #tpu.memory_space<semaphore_mem>>) src(%dma_wait3A_267 : memref<128x64xf32, #tpu.memory_space<vmem>>) dst(%dma_wait3A_273 : memref<10240x64xf32, #tpu.memory_space<vmem_shared>>)
      %lt3A_274 = arith.constant 34 : i32
      %lt3A_275 = arith.cmpi slt, %scan3A_193, %lt3A_274 : i32
      %convert_element_type3A = arith.extui %lt3A_275 : i1 to i32
      %cond3A = arith.constant 0 : i32
      %cond3A_276 = arith.cmpi ne, %convert_element_type3A, %cond3A : i32
      scf.if %cond3A_276 {
        %add3A_277 = arith.constant 8 : i32
        %add3A_278 = arith.addi %mul3A_196, %add3A_277 : i32
        %add3A_279 = arith.constant 0 : i32
        %add3A_280 = arith.addi %add3A_278, %add3A_279 : i32
        %add3A_281 = arith.constant 0 : i32
        %add3A_282 = arith.addi %mul3A_198, %add3A_281 : i32
        %dma_start3A_283 = arith.constant 0 : i32
        %dma_start3A_284 = arith.constant 0 : i32
        %dma_start3A_285 = tpu.memref_slice %arg8[%add3A_282, %dma_start3A_283, %dma_start3A_284] : memref<8x128x64xf32, #tpu.memory_space<vmem>> -> memref<1x128x64xf32, #tpu.memory_space<vmem>>
        %dma_start3A_286 = tpu.memref_squeeze %dma_start3A_285 : memref<1x128x64xf32, #tpu.memory_space<vmem>> -> memref<128x64xf32, #tpu.memory_space<vmem>>
        %dma_start3A_287 = arith.constant 0 : i32
        %dma_start3A_288 = tpu.memref_slice %arg6[%add3A_280, %dma_start3A_287] : memref<79x128xi32, #tpu.memory_space<vmem>> -> memref<1x128xi32, #tpu.memory_space<vmem>>
        %dma_start3A_289 = tpu.memref_squeeze %dma_start3A_288 : memref<1x128xi32, #tpu.memory_space<vmem>> -> memref<128xi32, #tpu.memory_space<vmem>>
        %dma_start3A_290 = arith.constant 0 : i32
        %dma_start3A_291 = arith.constant 0 : i32
        %dma_start3A_292 = tpu.memref_slice %arg2[%dma_start3A_290, %dma_start3A_291] : memref<10240x64xf32, #tpu.memory_space<hbm>> -> memref<10240x64xf32, #tpu.memory_space<hbm>>
        tpu.enqueue_indirect_dma source(%dma_start3A_292 : memref<10240x64xf32, #tpu.memory_space<hbm>>) target(%dma_start3A_286 : memref<128x64xf32, #tpu.memory_space<vmem>>) offsets(%dma_start3A_289 : memref<128xi32, #tpu.memory_space<vmem>>) semaphore(%arg10 : memref<!tpu.dma_semaphore, #tpu.memory_space<semaphore_mem>>)
        %add3A_293 = arith.constant 1 : i32
        %add3A_294 = arith.addi %add3A_278, %add3A_293 : i32
        %add3A_295 = arith.constant 1 : i32
        %add3A_296 = arith.addi %mul3A_198, %add3A_295 : i32
        %dma_start3A_297 = arith.constant 0 : i32
        %dma_start3A_298 = arith.constant 0 : i32
        %dma_start3A_299 = tpu.memref_slice %arg8[%add3A_296, %dma_start3A_297, %dma_start3A_298] : memref<8x128x64xf32, #tpu.memory_space<vmem>> -> memref<1x128x64xf32, #tpu.memory_space<vmem>>
        %dma_start3A_300 = tpu.memref_squeeze %dma_start3A_299 : memref<1x128x64xf32, #tpu.memory_space<vmem>> -> memref<128x64xf32, #tpu.memory_space<vmem>>
        %dma_start3A_301 = arith.constant 0 : i32
        %dma_start3A_302 = tpu.memref_slice %arg6[%add3A_294, %dma_start3A_301] : memref<79x128xi32, #tpu.memory_space<vmem>> -> memref<1x128xi32, #tpu.memory_space<vmem>>
        %dma_start3A_303 = tpu.memref_squeeze %dma_start3A_302 : memref<1x128xi32, #tpu.memory_space<vmem>> -> memref<128xi32, #tpu.memory_space<vmem>>
        %dma_start3A_304 = arith.constant 0 : i32
        %dma_start3A_305 = arith.constant 0 : i32
        %dma_start3A_306 = tpu.memref_slice %arg2[%dma_start3A_304, %dma_start3A_305] : memref<10240x64xf32, #tpu.memory_space<hbm>> -> memref<10240x64xf32, #tpu.memory_space<hbm>>
        tpu.enqueue_indirect_dma source(%dma_start3A_306 : memref<10240x64xf32, #tpu.memory_space<hbm>>) target(%dma_start3A_300 : memref<128x64xf32, #tpu.memory_space<vmem>>) offsets(%dma_start3A_303 : memref<128xi32, #tpu.memory_space<vmem>>) semaphore(%arg10 : memref<!tpu.dma_semaphore, #tpu.memory_space<semaphore_mem>>)
      } else {
      }
    }
    %scan3A_177 = arith.constant 38 : i32
    %while3A_178 = arith.constant 0 : i32
    %while3A_179 = arith.constant 76 : i32
    %while3A_180 = arith.subi %add3A_8, %while3A_179 : i32
    %while3A_181 = arith.addi %while3A_179, %while3A_180 : i32
    %while3A_182 = arith.constant 1 : i32
    %while3A_183 = arith.divsi %while3A_180, %while3A_182 : i32
    %while3A_184 = arith.muli %while3A_183, %while3A_182 : i32
    %while3A_185 = arith.addi %while3A_179, %while3A_184 : i32
    %while3A_186 = arith.constant 1 : i32
    scf.for %while3A_193 = %while3A_179 to %while3A_185 step %while3A_186  : i32 {
      %dma_start3A_194 = arith.constant 0 : i32
      %dma_start3A_195 = arith.constant 0 : i32
      %dma_start3A_196 = arith.constant 0 : i32
      %dma_start3A_197 = tpu.memref_slice %arg8[%dma_start3A_194, %dma_start3A_195, %dma_start3A_196] : memref<8x128x64xf32, #tpu.memory_space<vmem>> -> memref<1x128x64xf32, #tpu.memory_space<vmem>>
      %dma_start3A_198 = tpu.memref_squeeze %dma_start3A_197 : memref<1x128x64xf32, #tpu.memory_space<vmem>> -> memref<128x64xf32, #tpu.memory_space<vmem>>
      %dma_start3A_199 = arith.constant 0 : i32
      %dma_start3A_200 = tpu.memref_slice %arg6[%while3A_193, %dma_start3A_199] : memref<79x128xi32, #tpu.memory_space<vmem>> -> memref<1x128xi32, #tpu.memory_space<vmem>>
      %dma_start3A_201 = tpu.memref_squeeze %dma_start3A_200 : memref<1x128xi32, #tpu.memory_space<vmem>> -> memref<128xi32, #tpu.memory_space<vmem>>
      %dma_start3A_202 = arith.constant 0 : i32
      %dma_start3A_203 = arith.constant 0 : i32
      %dma_start3A_204 = tpu.memref_slice %arg2[%dma_start3A_202, %dma_start3A_203] : memref<10240x64xf32, #tpu.memory_space<hbm>> -> memref<10240x64xf32, #tpu.memory_space<hbm>>
      tpu.enqueue_indirect_dma source(%dma_start3A_204 : memref<10240x64xf32, #tpu.memory_space<hbm>>) target(%dma_start3A_198 : memref<128x64xf32, #tpu.memory_space<vmem>>) offsets(%dma_start3A_201 : memref<128xi32, #tpu.memory_space<vmem>>) semaphore(%arg10 : memref<!tpu.dma_semaphore, #tpu.memory_space<semaphore_mem>>)
      %dma_wait3A = arith.constant 0 : i32
      %dma_wait3A_205 = arith.constant 0 : i32
      %dma_wait3A_206 = arith.constant 0 : i32
      %dma_wait3A_207 = tpu.memref_slice %arg8[%dma_wait3A, %dma_wait3A_205, %dma_wait3A_206] : memref<8x128x64xf32, #tpu.memory_space<vmem>> -> memref<1x128x64xf32, #tpu.memory_space<vmem>>
      %dma_wait3A_208 = tpu.memref_squeeze %dma_wait3A_207 : memref<1x128x64xf32, #tpu.memory_space<vmem>> -> memref<128x64xf32, #tpu.memory_space<vmem>>
      %dma_wait3A_209 = arith.constant 0 : i32
      %dma_wait3A_210 = tpu.memref_slice %arg6[%while3A_193, %dma_wait3A_209] : memref<79x128xi32, #tpu.memory_space<vmem>> -> memref<1x128xi32, #tpu.memory_space<vmem>>
      %dma_wait3A_211 = tpu.memref_squeeze %dma_wait3A_210 : memref<1x128xi32, #tpu.memory_space<vmem>> -> memref<128xi32, #tpu.memory_space<vmem>>
      %dma_wait3A_212 = arith.constant 0 : i32
      %dma_wait3A_213 = arith.constant 0 : i32
      %dma_wait3A_214 = tpu.memref_slice %arg2[%dma_wait3A_212, %dma_wait3A_213] : memref<10240x64xf32, #tpu.memory_space<hbm>> -> memref<10240x64xf32, #tpu.memory_space<hbm>>
      tpu.wait_indirect_dma semaphore(%arg10 : memref<!tpu.dma_semaphore, #tpu.memory_space<semaphore_mem>>) src(%dma_wait3A_214 : memref<10240x64xf32, #tpu.memory_space<hbm>>) dst(%dma_wait3A_208 : memref<128x64xf32, #tpu.memory_space<vmem>>)
      %run_scoped3A_215 = arith.constant 0 : i32
      "tpu.region"() ({
        %run_scoped3A_216 = tpu.sem_alloc : memref<!tpu.dma_semaphore, #tpu.memory_space<semaphore_mem>>
        %dma_start3A_217 = arith.constant 0 : i32
        %dma_start3A_218 = arith.constant 0 : i32
        %dma_start3A_219 = tpu.memref_slice %arg8[%run_scoped3A_215, %dma_start3A_217, %dma_start3A_218] : memref<8x128x64xf32, #tpu.memory_space<vmem>> -> memref<1x128x64xf32, #tpu.memory_space<vmem>>
        %dma_start3A_220 = tpu.memref_squeeze %dma_start3A_219 : memref<1x128x64xf32, #tpu.memory_space<vmem>> -> memref<128x64xf32, #tpu.memory_space<vmem>>
        %dma_start3A_221 = arith.constant 0 : i32
        %dma_start3A_222 = tpu.memref_slice %arg7[%while3A_193, %dma_start3A_221] : memref<79x128xi32, #tpu.memory_space<vmem>> -> memref<1x128xi32, #tpu.memory_space<vmem>>
        %dma_start3A_223 = tpu.memref_squeeze %dma_start3A_222 : memref<1x128xi32, #tpu.memory_space<vmem>> -> memref<128xi32, #tpu.memory_space<vmem>>
        %dma_start3A_224 = arith.constant 0 : i32
        %dma_start3A_225 = arith.constant 0 : i32
        %dma_start3A_226 = tpu.memref_slice %arg5[%dma_start3A_224, %dma_start3A_225] : memref<10240x64xf32, #tpu.memory_space<vmem_shared>> -> memref<10240x64xf32, #tpu.memory_space<vmem_shared>>
        tpu.enqueue_indirect_dma source(%dma_start3A_220 : memref<128x64xf32, #tpu.memory_space<vmem>>) target(%dma_start3A_226 : memref<10240x64xf32, #tpu.memory_space<vmem_shared>>) offsets(%dma_start3A_223 : memref<128xi32, #tpu.memory_space<vmem>>) semaphore(%run_scoped3A_216 : memref<!tpu.dma_semaphore, #tpu.memory_space<semaphore_mem>>) {add = true}
        %dma_wait3A_227 = arith.constant 0 : i32
        %dma_wait3A_228 = arith.constant 0 : i32
        %dma_wait3A_229 = tpu.memref_slice %arg8[%run_scoped3A_215, %dma_wait3A_227, %dma_wait3A_228] : memref<8x128x64xf32, #tpu.memory_space<vmem>> -> memref<1x128x64xf32, #tpu.memory_space<vmem>>
        %dma_wait3A_230 = tpu.memref_squeeze %dma_wait3A_229 : memref<1x128x64xf32, #tpu.memory_space<vmem>> -> memref<128x64xf32, #tpu.memory_space<vmem>>
        %dma_wait3A_231 = arith.constant 0 : i32
        %dma_wait3A_232 = tpu.memref_slice %arg7[%while3A_193, %dma_wait3A_231] : memref<79x128xi32, #tpu.memory_space<vmem>> -> memref<1x128xi32, #tpu.memory_space<vmem>>
        %dma_wait3A_233 = tpu.memref_squeeze %dma_wait3A_232 : memref<1x128xi32, #tpu.memory_space<vmem>> -> memref<128xi32, #tpu.memory_space<vmem>>
        %dma_wait3A_234 = arith.constant 0 : i32
        %dma_wait3A_235 = arith.constant 0 : i32
        %dma_wait3A_236 = tpu.memref_slice %arg5[%dma_wait3A_234, %dma_wait3A_235] : memref<10240x64xf32, #tpu.memory_space<vmem_shared>> -> memref<10240x64xf32, #tpu.memory_space<vmem_shared>>
        tpu.wait_indirect_dma semaphore(%run_scoped3A_216 : memref<!tpu.dma_semaphore, #tpu.memory_space<semaphore_mem>>) src(%dma_wait3A_230 : memref<128x64xf32, #tpu.memory_space<vmem>>) dst(%dma_wait3A_236 : memref<10240x64xf32, #tpu.memory_space<vmem_shared>>)
        tpu.yield
      }) : () -> ()
    }
    %while3A_187 = arith.constant 1 : i32
    scf.for %while3A_193 = %while3A_185 to %while3A_181 step %while3A_187  : i32 {
      %dma_start3A_194 = arith.constant 0 : i32
      %dma_start3A_195 = arith.constant 0 : i32
      %dma_start3A_196 = arith.constant 0 : i32
      %dma_start3A_197 = tpu.memref_slice %arg8[%dma_start3A_194, %dma_start3A_195, %dma_start3A_196] : memref<8x128x64xf32, #tpu.memory_space<vmem>> -> memref<1x128x64xf32, #tpu.memory_space<vmem>>
      %dma_start3A_198 = tpu.memref_squeeze %dma_start3A_197 : memref<1x128x64xf32, #tpu.memory_space<vmem>> -> memref<128x64xf32, #tpu.memory_space<vmem>>
      %dma_start3A_199 = arith.constant 0 : i32
      %dma_start3A_200 = tpu.memref_slice %arg6[%while3A_193, %dma_start3A_199] : memref<79x128xi32, #tpu.memory_space<vmem>> -> memref<1x128xi32, #tpu.memory_space<vmem>>
      %dma_start3A_201 = tpu.memref_squeeze %dma_start3A_200 : memref<1x128xi32, #tpu.memory_space<vmem>> -> memref<128xi32, #tpu.memory_space<vmem>>
      %dma_start3A_202 = arith.constant 0 : i32
      %dma_start3A_203 = arith.constant 0 : i32
      %dma_start3A_204 = tpu.memref_slice %arg2[%dma_start3A_202, %dma_start3A_203] : memref<10240x64xf32, #tpu.memory_space<hbm>> -> memref<10240x64xf32, #tpu.memory_space<hbm>>
      tpu.enqueue_indirect_dma source(%dma_start3A_204 : memref<10240x64xf32, #tpu.memory_space<hbm>>) target(%dma_start3A_198 : memref<128x64xf32, #tpu.memory_space<vmem>>) offsets(%dma_start3A_201 : memref<128xi32, #tpu.memory_space<vmem>>) semaphore(%arg10 : memref<!tpu.dma_semaphore, #tpu.memory_space<semaphore_mem>>)
      %dma_wait3A = arith.constant 0 : i32
      %dma_wait3A_205 = arith.constant 0 : i32
      %dma_wait3A_206 = arith.constant 0 : i32
      %dma_wait3A_207 = tpu.memref_slice %arg8[%dma_wait3A, %dma_wait3A_205, %dma_wait3A_206] : memref<8x128x64xf32, #tpu.memory_space<vmem>> -> memref<1x128x64xf32, #tpu.memory_space<vmem>>
      %dma_wait3A_208 = tpu.memref_squeeze %dma_wait3A_207 : memref<1x128x64xf32, #tpu.memory_space<vmem>> -> memref<128x64xf32, #tpu.memory_space<vmem>>
      %dma_wait3A_209 = arith.constant 0 : i32
      %dma_wait3A_210 = tpu.memref_slice %arg6[%while3A_193, %dma_wait3A_209] : memref<79x128xi32, #tpu.memory_space<vmem>> -> memref<1x128xi32, #tpu.memory_space<vmem>>
      %dma_wait3A_211 = tpu.memref_squeeze %dma_wait3A_210 : memref<1x128xi32, #tpu.memory_space<vmem>> -> memref<128xi32, #tpu.memory_space<vmem>>
      %dma_wait3A_212 = arith.constant 0 : i32
      %dma_wait3A_213 = arith.constant 0 : i32
      %dma_wait3A_214 = tpu.memref_slice %arg2[%dma_wait3A_212, %dma_wait3A_213] : memref<10240x64xf32, #tpu.memory_space<hbm>> -> memref<10240x64xf32, #tpu.memory_space<hbm>>
      tpu.wait_indirect_dma semaphore(%arg10 : memref<!tpu.dma_semaphore, #tpu.memory_space<semaphore_mem>>) src(%dma_wait3A_214 : memref<10240x64xf32, #tpu.memory_space<hbm>>) dst(%dma_wait3A_208 : memref<128x64xf32, #tpu.memory_space<vmem>>)
      %run_scoped3A_215 = arith.constant 0 : i32
      "tpu.region"() ({
        %run_scoped3A_216 = tpu.sem_alloc : memref<!tpu.dma_semaphore, #tpu.memory_space<semaphore_mem>>
        %dma_start3A_217 = arith.constant 0 : i32
        %dma_start3A_218 = arith.constant 0 : i32
        %dma_start3A_219 = tpu.memref_slice %arg8[%run_scoped3A_215, %dma_start3A_217, %dma_start3A_218] : memref<8x128x64xf32, #tpu.memory_space<vmem>> -> memref<1x128x64xf32, #tpu.memory_space<vmem>>
        %dma_start3A_220 = tpu.memref_squeeze %dma_start3A_219 : memref<1x128x64xf32, #tpu.memory_space<vmem>> -> memref<128x64xf32, #tpu.memory_space<vmem>>
        %dma_start3A_221 = arith.constant 0 : i32
        %dma_start3A_222 = tpu.memref_slice %arg7[%while3A_193, %dma_start3A_221] : memref<79x128xi32, #tpu.memory_space<vmem>> -> memref<1x128xi32, #tpu.memory_space<vmem>>
        %dma_start3A_223 = tpu.memref_squeeze %dma_start3A_222 : memref<1x128xi32, #tpu.memory_space<vmem>> -> memref<128xi32, #tpu.memory_space<vmem>>
        %dma_start3A_224 = arith.constant 0 : i32
        %dma_start3A_225 = arith.constant 0 : i32
        %dma_start3A_226 = tpu.memref_slice %arg5[%dma_start3A_224, %dma_start3A_225] : memref<10240x64xf32, #tpu.memory_space<vmem_shared>> -> memref<10240x64xf32, #tpu.memory_space<vmem_shared>>
        tpu.enqueue_indirect_dma source(%dma_start3A_220 : memref<128x64xf32, #tpu.memory_space<vmem>>) target(%dma_start3A_226 : memref<10240x64xf32, #tpu.memory_space<vmem_shared>>) offsets(%dma_start3A_223 : memref<128xi32, #tpu.memory_space<vmem>>) semaphore(%run_scoped3A_216 : memref<!tpu.dma_semaphore, #tpu.memory_space<semaphore_mem>>) {add = true}
        %dma_wait3A_227 = arith.constant 0 : i32
        %dma_wait3A_228 = arith.constant 0 : i32
        %dma_wait3A_229 = tpu.memref_slice %arg8[%run_scoped3A_215, %dma_wait3A_227, %dma_wait3A_228] : memref<8x128x64xf32, #tpu.memory_space<vmem>> -> memref<1x128x64xf32, #tpu.memory_space<vmem>>
        %dma_wait3A_230 = tpu.memref_squeeze %dma_wait3A_229 : memref<1x128x64xf32, #tpu.memory_space<vmem>> -> memref<128x64xf32, #tpu.memory_space<vmem>>
        %dma_wait3A_231 = arith.constant 0 : i32
        %dma_wait3A_232 = tpu.memref_slice %arg7[%while3A_193, %dma_wait3A_231] : memref<79x128xi32, #tpu.memory_space<vmem>> -> memref<1x128xi32, #tpu.memory_space<vmem>>
        %dma_wait3A_233 = tpu.memref_squeeze %dma_wait3A_232 : memref<1x128xi32, #tpu.memory_space<vmem>> -> memref<128xi32, #tpu.memory_space<vmem>>
        %dma_wait3A_234 = arith.constant 0 : i32
        %dma_wait3A_235 = arith.constant 0 : i32
        %dma_wait3A_236 = tpu.memref_slice %arg5[%dma_wait3A_234, %dma_wait3A_235] : memref<10240x64xf32, #tpu.memory_space<vmem_shared>> -> memref<10240x64xf32, #tpu.memory_space<vmem_shared>>
        tpu.wait_indirect_dma semaphore(%run_scoped3A_216 : memref<!tpu.dma_semaphore, #tpu.memory_space<semaphore_mem>>) src(%dma_wait3A_230 : memref<128x64xf32, #tpu.memory_space<vmem>>) dst(%dma_wait3A_236 : memref<10240x64xf32, #tpu.memory_space<vmem_shared>>)
        tpu.yield
      }) : () -> ()
    }
    %barrier3A_188 = arith.constant 0 : index
    tpu.barrier barrier_id(%barrier3A_188)
    %mul3A_189 = arith.constant 640 : i32
    %mul3A_190 = arith.muli %arg1, %mul3A_189 : i32
    %mul3A_191 = arith.constant 640 : i32
    %mul3A_192 = arith.muli %arg1, %mul3A_191 : i32
    "tpu.region"() ({
      %run_scoped3A_193 = tpu.sem_alloc : memref<!tpu.dma_semaphore, #tpu.memory_space<semaphore_mem>>
      %dma_start3A_194 = arith.constant 0 : i32
      %dma_start3A_195 = tpu.memref_slice %arg4[%arg0, %mul3A_192, %dma_start3A_194] : memref<2x10240x64xf32, #tpu.memory_space<hbm>> -> memref<1x640x64xf32, #tpu.memory_space<hbm>>
      %dma_start3A_196 = tpu.memref_squeeze %dma_start3A_195 : memref<1x640x64xf32, #tpu.memory_space<hbm>> -> memref<640x64xf32, #tpu.memory_space<hbm>>
      %dma_start3A_197 = arith.constant 0 : i32
      %dma_start3A_198 = tpu.memref_slice %arg5[%mul3A_190, %dma_start3A_197] : memref<10240x64xf32, #tpu.memory_space<vmem_shared>> -> memref<640x64xf32, #tpu.memory_space<vmem_shared>>
      tpu.enqueue_dma source(%dma_start3A_198 : memref<640x64xf32, #tpu.memory_space<vmem_shared>>) target(%dma_start3A_196 : memref<640x64xf32, #tpu.memory_space<hbm>>) target_semaphore(%run_scoped3A_193 : memref<!tpu.dma_semaphore, #tpu.memory_space<semaphore_mem>>)
      %dma_wait3A = arith.constant 0 : i32
      %dma_wait3A_199 = tpu.memref_slice %arg4[%arg0, %mul3A_192, %dma_wait3A] : memref<2x10240x64xf32, #tpu.memory_space<hbm>> -> memref<1x640x64xf32, #tpu.memory_space<hbm>>
      %dma_wait3A_200 = tpu.memref_squeeze %dma_wait3A_199 : memref<1x640x64xf32, #tpu.memory_space<hbm>> -> memref<640x64xf32, #tpu.memory_space<hbm>>
      %dma_wait3A_201 = arith.constant 0 : i32
      %dma_wait3A_202 = tpu.memref_slice %arg5[%mul3A_190, %dma_wait3A_201] : memref<10240x64xf32, #tpu.memory_space<vmem_shared>> -> memref<640x64xf32, #tpu.memory_space<vmem_shared>>
      tpu.wait_dma2 semaphore(%run_scoped3A_193 : memref<!tpu.dma_semaphore, #tpu.memory_space<semaphore_mem>>) src(%dma_wait3A_202 : memref<640x64xf32, #tpu.memory_space<vmem_shared>>) dst(%dma_wait3A_200 : memref<640x64xf32, #tpu.memory_space<hbm>>)
      tpu.yield
    }) : () -> ()
    return
  }
}

module attributes {stable_mosaic.version = 14 : i64} {
  func.func @_h_body(%arg0: i32, %arg1: memref<2048x128xf32, #tpu.memory_space<vmem>>, %arg2: memref<128x64xf32, #tpu.memory_space<vmem>>, %arg3: memref<2048x64xf32, #tpu.memory_space<vmem>>) attributes {dimension_semantics = [#tpu.dimension_semantics<arbitrary>], iteration_bounds = array<i64: 5>, scalar_prefetch = 0 : i64, scratch_operands = 0 : i64, tpu.core_type = #tpu.core_type<tc>, window_params = [{transform_indices = @transform_0, window_bounds = array<i64: 2048, 128>}, {pipeline_mode = #tpu.pipeline_mode<synchronous>, transform_indices = @transform_1, window_bounds = array<i64: 128, 64>}, {transform_indices = @transform_2, window_bounds = array<i64: 2048, 64>}]} {
    %get3A = arith.constant 0 : index
    %get3A_0 = arith.constant 0 : index
    %get3A_1 = vector.load %arg1[%get3A, %get3A_0] : memref<2048x128xf32, #tpu.memory_space<vmem>>, vector<2048x128xf32>
    %get3A_2 = arith.constant 0 : index
    %get3A_3 = arith.constant 0 : index
    %get3A_4 = vector.load %arg2[%get3A_2, %get3A_3] : memref<128x64xf32, #tpu.memory_space<vmem>>, vector<128x64xf32>
    %dot_general3A = arith.constant dense<0.000000e+00> : vector<2048x64xf32>
    %dot_general3A_5 = tpu.matmul %get3A_1, %get3A_4, %dot_general3A {dimension_numbers = #tpu.dot_dimension_numbers<[1], [0], [0], [1], [0, 0, 1, 1], [], []>, transpose_lhs_hint = false} : vector<2048x128xf32>, vector<128x64xf32>, vector<2048x64xf32> -> vector<2048x64xf32>
    %swap3A = arith.constant 0 : index
    %swap3A_6 = arith.constant 0 : index
    %swap3A_7 = vector.load %arg3[%swap3A, %swap3A_6] : memref<2048x64xf32, #tpu.memory_space<vmem>>, vector<2048x64xf32>
    tpu.vector_store %arg3[%swap3A, %swap3A_6], %dot_general3A_5 {strides = array<i32>} : memref<2048x64xf32, #tpu.memory_space<vmem>>, vector<2048x64xf32>,
    return
  }
  func.func @transform_0(%arg0: i32) -> (i32, i32) {
    %c0_i32 = arith.constant 0 : i32
    %c0_i32_0 = arith.constant 0 : i32
    return %arg0, %c0_i32 : i32, i32
  }
  func.func @transform_1(%arg0: i32) -> (i32, i32) {
    %c0_i32 = arith.constant 0 : i32
    %c0_i32_0 = arith.constant 0 : i32
    %c0_i32_1 = arith.constant 0 : i32
    return %c0_i32, %c0_i32_0 : i32, i32
  }
  func.func @transform_2(%arg0: i32) -> (i32, i32) {
    %c0_i32 = arith.constant 0 : i32
    %c0_i32_0 = arith.constant 0 : i32
    return %arg0, %c0_i32 : i32, i32
  }
}

module attributes {stable_mosaic.version = 14 : i64} {
  func.func @_scale_body(%arg0: i32, %arg1: memref<2048x64xf32, #tpu.memory_space<vmem>>, %arg2: memref<2x10240xf32, #tpu.memory_space<vmem>>, %arg3: memref<2048x64xf32, #tpu.memory_space<vmem>>) attributes {dimension_semantics = [#tpu.dimension_semantics<arbitrary>], iteration_bounds = array<i64: 5>, scalar_prefetch = 0 : i64, scratch_operands = 0 : i64, tpu.core_type = #tpu.core_type<tc>, window_params = [{transform_indices = @transform_0, window_bounds = array<i64: 2048, 64>}, {pipeline_mode = #tpu.pipeline_mode<synchronous>, transform_indices = @transform_1, window_bounds = array<i64: 2, 10240>}, {transform_indices = @transform_2, window_bounds = array<i64: 2048, 64>}]} {
    %get3A = arith.constant 0 : index
    %get3A_0 = arith.constant 0 : index
    %get3A_1 = vector.load %arg1[%get3A, %get3A_0] : memref<2048x64xf32, #tpu.memory_space<vmem>>, vector<2048x64xf32>
    %mul3A = arith.constant 2048 : i32
    %mul3A_2 = arith.muli %arg0, %mul3A : i32
    %get3A_3 = arith.constant 0 : index
    %get3A_4 = arith.index_cast %mul3A_2 : i32 to index
    %get3A_5 = vector.load %arg2[%get3A_3, %get3A_4] : memref<2x10240xf32, #tpu.memory_space<vmem>>, vector<1x2048xf32>
    %mul3A_6 = arith.constant 2048 : i32
    %mul3A_7 = arith.muli %arg0, %mul3A_6 : i32
    %get3A_8 = arith.constant 1 : index
    %get3A_9 = arith.index_cast %mul3A_7 : i32 to index
    %get3A_10 = vector.load %arg2[%get3A_8, %get3A_9] : memref<2x10240xf32, #tpu.memory_space<vmem>>, vector<1x2048xf32>
    %add3A = arith.addf %get3A_5, %get3A_10 : vector<1x2048xf32>
    %add3A_11 = arith.constant 1.000000e+00 : f32
    %add3A_12 = vector.broadcast %add3A_11 : f32 to vector<1x2048xf32>
    %add3A_13 = arith.addf %add3A, %add3A_12 : vector<1x2048xf32>
    %transpose3A = tpu.transpose %add3A_13, [1, 0] : vector<1x2048xf32> -> vector<2048x1xf32>
    %rsqrt3A = math.rsqrt %transpose3A : vector<2048x1xf32>
    %mul3A_14 = vector.broadcast %rsqrt3A : vector<2048x1xf32> to vector<2048x64xf32>
    %mul3A_15 = arith.mulf %get3A_1, %mul3A_14 : vector<2048x64xf32>
    %swap3A = arith.constant 0 : index
    %swap3A_16 = arith.constant 0 : index
    %swap3A_17 = vector.load %arg3[%swap3A, %swap3A_16] : memref<2048x64xf32, #tpu.memory_space<vmem>>, vector<2048x64xf32>
    tpu.vector_store %arg3[%swap3A, %swap3A_16], %mul3A_15 {strides = array<i32>} : memref<2048x64xf32, #tpu.memory_space<vmem>>, vector<2048x64xf32>,
    return
  }
  func.func @transform_0(%arg0: i32) -> (i32, i32) {
    %c0_i32 = arith.constant 0 : i32
    %c0_i32_0 = arith.constant 0 : i32
    return %arg0, %c0_i32 : i32, i32
  }
  func.func @transform_1(%arg0: i32) -> (i32, i32) {
    %c0_i32 = arith.constant 0 : i32
    %c0_i32_0 = arith.constant 0 : i32
    %c0_i32_1 = arith.constant 0 : i32
    return %c0_i32, %c0_i32_0 : i32, i32
  }
  func.func @transform_2(%arg0: i32) -> (i32, i32) {
    %c0_i32 = arith.constant 0 : i32
    %c0_i32_0 = arith.constant 0 : i32
    return %arg0, %c0_i32 : i32, i32
  }
}

module attributes {stable_mosaic.version = 14 : i64} {
  func.func @_tail_body(%arg0: i32, %arg1: memref<2x2048x64xf32, #tpu.memory_space<vmem>>, %arg2: memref<2048x64xf32, #tpu.memory_space<vmem>>, %arg3: memref<2x10240xf32, #tpu.memory_space<vmem>>, %arg4: memref<2048x2xf32, #tpu.memory_space<vmem>>, %arg5: memref<1x64xf32, #tpu.memory_space<vmem>>, %arg6: memref<2x32xf32, #tpu.memory_space<vmem>>, %arg7: memref<1x32xf32, #tpu.memory_space<vmem>>, %arg8: memref<32x32xf32, #tpu.memory_space<vmem>>, %arg9: memref<1x32xf32, #tpu.memory_space<vmem>>, %arg10: memref<64x16xf32, #tpu.memory_space<vmem>>, %arg11: memref<32x16xf32, #tpu.memory_space<vmem>>, %arg12: memref<1x16xf32, #tpu.memory_space<vmem>>, %arg13: memref<2048x16xf32, #tpu.memory_space<vmem>>) attributes {dimension_semantics = [#tpu.dimension_semantics<arbitrary>], iteration_bounds = array<i64: 5>, scalar_prefetch = 0 : i64, scratch_operands = 0 : i64, tpu.core_type = #tpu.core_type<tc>, window_params = [{transform_indices = @transform_0, window_bounds = array<i64: 2, 2048, 64>}, {transform_indices = @transform_1, window_bounds = array<i64: 2048, 64>}, {pipeline_mode = #tpu.pipeline_mode<synchronous>, transform_indices = @transform_2, window_bounds = array<i64: 2, 10240>}, {transform_indices = @transform_3, window_bounds = array<i64: 2048, 2>}, {pipeline_mode = #tpu.pipeline_mode<synchronous>, transform_indices = @transform_4, window_bounds = array<i64: 1, 64>}, {pipeline_mode = #tpu.pipeline_mode<synchronous>, transform_indices = @transform_5, window_bounds = array<i64: 2, 32>}, {pipeline_mode = #tpu.pipeline_mode<synchronous>, transform_indices = @transform_6, window_bounds = array<i64: 1, 32>}, {pipeline_mode = #tpu.pipeline_mode<synchronous>, transform_indices = @transform_7, window_bounds = array<i64: 32, 32>}, {pipeline_mode = #tpu.pipeline_mode<synchronous>, transform_indices = @transform_8, window_bounds = array<i64: 1, 32>}, {pipeline_mode = #tpu.pipeline_mode<synchronous>, transform_indices = @transform_9, window_bounds = array<i64: 64, 16>}, {pipeline_mode = #tpu.pipeline_mode<synchronous>, transform_indices = @transform_10, window_bounds = array<i64: 32, 16>}, {pipeline_mode = #tpu.pipeline_mode<synchronous>, transform_indices = @transform_11, window_bounds = array<i64: 1, 16>}, {transform_indices = @transform_12, window_bounds = array<i64: 2048, 16>}]} {
    %get3A = arith.constant 0 : index
    %get3A_0 = arith.constant 0 : index
    %get3A_1 = arith.constant 0 : index
    %get3A_2 = vector.load %arg1[%get3A, %get3A_0, %get3A_1] : memref<2x2048x64xf32, #tpu.memory_space<vmem>>, vector<1x2048x64xf32>
    %get3A_3 = vector.shape_cast %get3A_2 : vector<1x2048x64xf32> to vector<2048x64xf32>
    %get3A_4 = arith.constant 1 : index
    %get3A_5 = arith.constant 0 : index
    %get3A_6 = arith.constant 0 : index
    %get3A_7 = vector.load %arg1[%get3A_4, %get3A_5, %get3A_6] : memref<2x2048x64xf32, #tpu.memory_space<vmem>>, vector<1x2048x64xf32>
    %get3A_8 = vector.shape_cast %get3A_7 : vector<1x2048x64xf32> to vector<2048x64xf32>
    %add3A = arith.addf %get3A_3, %get3A_8 : vector<2048x64xf32>
    %mul3A = arith.constant 2048 : i32
    %mul3A_9 = arith.muli %arg0, %mul3A : i32
    %get3A_10 = arith.constant 0 : index
    %get3A_11 = arith.index_cast %mul3A_9 : i32 to index
    %get3A_12 = vector.load %arg3[%get3A_10, %get3A_11] : memref<2x10240xf32, #tpu.memory_space<vmem>>, vector<1x2048xf32>
    %mul3A_13 = arith.constant 2048 : i32
    %mul3A_14 = arith.muli %arg0, %mul3A_13 : i32
    %get3A_15 = arith.constant 1 : index
    %get3A_16 = arith.index_cast %mul3A_14 : i32 to index
    %get3A_17 = vector.load %arg3[%get3A_15, %get3A_16] : memref<2x10240xf32, #tpu.memory_space<vmem>>, vector<1x2048xf32>
    %add3A_18 = arith.addf %get3A_12, %get3A_17 : vector<1x2048xf32>
    %add3A_19 = arith.constant 1.000000e+00 : f32
    %add3A_20 = vector.broadcast %add3A_19 : f32 to vector<1x2048xf32>
    %add3A_21 = arith.addf %add3A_18, %add3A_20 : vector<1x2048xf32>
    %transpose3A = tpu.transpose %add3A_21, [1, 0] : vector<1x2048xf32> -> vector<2048x1xf32>
    %rsqrt3A = math.rsqrt %transpose3A : vector<2048x1xf32>
    %get3A_22 = arith.constant 0 : index
    %get3A_23 = arith.constant 0 : index
    %get3A_24 = vector.load %arg2[%get3A_22, %get3A_23] : memref<2048x64xf32, #tpu.memory_space<vmem>>, vector<2048x64xf32>
    %add3A_25 = arith.addf %add3A, %get3A_24 : vector<2048x64xf32>
    %mul3A_26 = vector.broadcast %rsqrt3A : vector<2048x1xf32> to vector<2048x64xf32>
    %mul3A_27 = arith.mulf %mul3A_26, %add3A_25 : vector<2048x64xf32>
    %get3A_28 = arith.constant 0 : index
    %get3A_29 = arith.constant 0 : index
    %get3A_30 = vector.load %arg5[%get3A_28, %get3A_29] : memref<1x64xf32, #tpu.memory_space<vmem>>, vector<1x64xf32>
    %add3A_31 = vector.broadcast %get3A_30 : vector<1x64xf32> to vector<2048x64xf32>
    %add3A_32 = arith.addf %mul3A_27, %add3A_31 : vector<2048x64xf32>
    %get3A_33 = arith.constant 0 : index
    %get3A_34 = arith.constant 0 : index
    %get3A_35 = vector.load %arg4[%get3A_33, %get3A_34] : memref<2048x2xf32, #tpu.memory_space<vmem>>, vector<2048x2xf32>
    %get3A_36 = arith.constant 0 : index
    %get3A_37 = arith.constant 0 : index
    %get3A_38 = vector.load %arg6[%get3A_36, %get3A_37] : memref<2x32xf32, #tpu.memory_space<vmem>>, vector<2x32xf32>
    %dot_general3A = arith.constant dense<0.000000e+00> : vector<2048x32xf32>
    %dot_general3A_39 = tpu.matmul %get3A_35, %get3A_38, %dot_general3A {dimension_numbers = #tpu.dot_dimension_numbers<[1], [0], [0], [1], [0, 0, 1, 1], [], []>, transpose_lhs_hint = false} : vector<2048x2xf32>, vector<2x32xf32>, vector<2048x32xf32> -> vector<2048x32xf32>
    %get3A_40 = arith.constant 0 : index
    %get3A_41 = arith.constant 0 : index
    %get3A_42 = vector.load %arg7[%get3A_40, %get3A_41] : memref<1x32xf32, #tpu.memory_space<vmem>>, vector<1x32xf32>
    %add3A_43 = vector.broadcast %get3A_42 : vector<1x32xf32> to vector<2048x32xf32>
    %add3A_44 = arith.addf %dot_general3A_39, %add3A_43 : vector<2048x32xf32>
    %max3A = arith.constant 0.000000e+00 : f32
    %max3A_45 = vector.broadcast %max3A : f32 to vector<2048x32xf32>
    %max3A_46 = arith.maximumf %add3A_44, %max3A_45 : vector<2048x32xf32>
    %get3A_47 = arith.constant 0 : index
    %get3A_48 = arith.constant 0 : index
    %get3A_49 = vector.load %arg8[%get3A_47, %get3A_48] : memref<32x32xf32, #tpu.memory_space<vmem>>, vector<32x32xf32>
    %dot_general3A_50 = arith.constant dense<0.000000e+00> : vector<2048x32xf32>
    %dot_general3A_51 = tpu.matmul %max3A_46, %get3A_49, %dot_general3A_50 {dimension_numbers = #tpu.dot_dimension_numbers<[1], [0], [0], [1], [0, 0, 1, 1], [], []>, transpose_lhs_hint = false} : vector<2048x32xf32>, vector<32x32xf32>, vector<2048x32xf32> -> vector<2048x32xf32>
    %get3A_52 = arith.constant 0 : index
    %get3A_53 = arith.constant 0 : index
    %get3A_54 = vector.load %arg9[%get3A_52, %get3A_53] : memref<1x32xf32, #tpu.memory_space<vmem>>, vector<1x32xf32>
    %add3A_55 = vector.broadcast %get3A_54 : vector<1x32xf32> to vector<2048x32xf32>
    %add3A_56 = arith.addf %dot_general3A_51, %add3A_55 : vector<2048x32xf32>
    %get3A_57 = arith.constant 0 : index
    %get3A_58 = arith.constant 0 : index
    %get3A_59 = vector.load %arg10[%get3A_57, %get3A_58] : memref<64x16xf32, #tpu.memory_space<vmem>>, vector<64x16xf32>
    %dot_general3A_60 = arith.constant dense<0.000000e+00> : vector<2048x16xf32>
    %dot_general3A_61 = tpu.matmul %add3A_32, %get3A_59, %dot_general3A_60 {dimension_numbers = #tpu.dot_dimension_numbers<[1], [0], [0], [1], [0, 0, 1, 1], [], []>, transpose_lhs_hint = false} : vector<2048x64xf32>, vector<64x16xf32>, vector<2048x16xf32> -> vector<2048x16xf32>
    %get3A_62 = arith.constant 0 : index
    %get3A_63 = arith.constant 0 : index
    %get3A_64 = vector.load %arg11[%get3A_62, %get3A_63] : memref<32x16xf32, #tpu.memory_space<vmem>>, vector<32x16xf32>
    %dot_general3A_65 = arith.constant dense<0.000000e+00> : vector<2048x16xf32>
    %dot_general3A_66 = tpu.matmul %add3A_56, %get3A_64, %dot_general3A_65 {dimension_numbers = #tpu.dot_dimension_numbers<[1], [0], [0], [1], [0, 0, 1, 1], [], []>, transpose_lhs_hint = false} : vector<2048x32xf32>, vector<32x16xf32>, vector<2048x16xf32> -> vector<2048x16xf32>
    %add3A_67 = arith.addf %dot_general3A_61, %dot_general3A_66 : vector<2048x16xf32>
    %get3A_68 = arith.constant 0 : index
    %get3A_69 = arith.constant 0 : index
    %get3A_70 = vector.load %arg12[%get3A_68, %get3A_69] : memref<1x16xf32, #tpu.memory_space<vmem>>, vector<1x16xf32>
    %add3A_71 = vector.broadcast %get3A_70 : vector<1x16xf32> to vector<2048x16xf32>
    %add3A_72 = arith.addf %add3A_67, %add3A_71 : vector<2048x16xf32>
    %reduce_max3A = arith.constant dense<0xFF800000> : vector<2048xf32>
    %reduce_max3A_73 = vector.multi_reduction <maximumf>, %add3A_72, %reduce_max3A [1] : vector<2048x16xf32> to vector<2048xf32>
    %broadcast_in_dim3A = vector.shape_cast %reduce_max3A_73 : vector<2048xf32> to vector<2048x1xf32>
    %sub3A = vector.broadcast %broadcast_in_dim3A : vector<2048x1xf32> to vector<2048x16xf32>
    %sub3A_74 = arith.subf %add3A_72, %sub3A : vector<2048x16xf32>
    %exp3A = math.exp %sub3A_74 : vector<2048x16xf32>
    %reduce_sum3A = arith.constant dense<0.000000e+00> : vector<2048xf32>
    %reduce_sum3A_75 = vector.multi_reduction <add>, %exp3A, %reduce_sum3A [1] : vector<2048x16xf32> to vector<2048xf32>
    %broadcast_in_dim3A_76 = vector.shape_cast %reduce_sum3A_75 : vector<2048xf32> to vector<2048x1xf32>
    %log3A = math.log %broadcast_in_dim3A_76 : vector<2048x1xf32>
    %sub3A_77 = vector.broadcast %log3A : vector<2048x1xf32> to vector<2048x16xf32>
    %sub3A_78 = arith.subf %sub3A_74, %sub3A_77 : vector<2048x16xf32>
    %swap3A = arith.constant 0 : index
    %swap3A_79 = arith.constant 0 : index
    %swap3A_80 = vector.load %arg13[%swap3A, %swap3A_79] : memref<2048x16xf32, #tpu.memory_space<vmem>>, vector<2048x16xf32>
    tpu.vector_store %arg13[%swap3A, %swap3A_79], %sub3A_78 {strides = array<i32>} : memref<2048x16xf32, #tpu.memory_space<vmem>>, vector<2048x16xf32>,
    return
  }
  func.func @transform_0(%arg0: i32) -> (i32, i32, i32) {
    %c0_i32 = arith.constant 0 : i32
    %c0_i32_0 = arith.constant 0 : i32
    %c0_i32_1 = arith.constant 0 : i32
    return %c0_i32, %arg0, %c0_i32_0 : i32, i32, i32
  }
  func.func @transform_1(%arg0: i32) -> (i32, i32) {
    %c0_i32 = arith.constant 0 : i32
    %c0_i32_0 = arith.constant 0 : i32
    return %arg0, %c0_i32 : i32, i32
  }
  func.func @transform_2(%arg0: i32) -> (i32, i32) {
    %c0_i32 = arith.constant 0 : i32
    %c0_i32_0 = arith.constant 0 : i32
    %c0_i32_1 = arith.constant 0 : i32
    return %c0_i32, %c0_i32_0 : i32, i32
  }
  func.func @transform_3(%arg0: i32) -> (i32, i32) {
    %c0_i32 = arith.constant 0 : i32
    %c0_i32_0 = arith.constant 0 : i32
    return %arg0, %c0_i32 : i32, i32
  }
  func.func @transform_4(%arg0: i32) -> (i32, i32) {
    %c0_i32 = arith.constant 0 : i32
    %c0_i32_0 = arith.constant 0 : i32
    %c0_i32_1 = arith.constant 0 : i32
    return %c0_i32, %c0_i32_0 : i32, i32
  }
  func.func @transform_5(%arg0: i32) -> (i32, i32) {
    %c0_i32 = arith.constant 0 : i32
    %c0_i32_0 = arith.constant 0 : i32
    %c0_i32_1 = arith.constant 0 : i32
    return %c0_i32, %c0_i32_0 : i32, i32
  }
  func.func @transform_6(%arg0: i32) -> (i32, i32) {
    %c0_i32 = arith.constant 0 : i32
    %c0_i32_0 = arith.constant 0 : i32
    %c0_i32_1 = arith.constant 0 : i32
    return %c0_i32, %c0_i32_0 : i32, i32
  }
  func.func @transform_7(%arg0: i32) -> (i32, i32) {
    %c0_i32 = arith.constant 0 : i32
    %c0_i32_0 = arith.constant 0 : i32
    %c0_i32_1 = arith.constant 0 : i32
    return %c0_i32, %c0_i32_0 : i32, i32
  }
  func.func @transform_8(%arg0: i32) -> (i32, i32) {
    %c0_i32 = arith.constant 0 : i32
    %c0_i32_0 = arith.constant 0 : i32
    %c0_i32_1 = arith.constant 0 : i32
    return %c0_i32, %c0_i32_0 : i32, i32
  }
  func.func @transform_9(%arg0: i32) -> (i32, i32) {
    %c0_i32 = arith.constant 0 : i32
    %c0_i32_0 = arith.constant 0 : i32
    %c0_i32_1 = arith.constant 0 : i32
    return %c0_i32, %c0_i32_0 : i32, i32
  }
  func.func @transform_10(%arg0: i32) -> (i32, i32) {
    %c0_i32 = arith.constant 0 : i32
    %c0_i32_0 = arith.constant 0 : i32
    %c0_i32_1 = arith.constant 0 : i32
    return %c0_i32, %c0_i32_0 : i32, i32
  }
  func.func @transform_11(%arg0: i32) -> (i32, i32) {
    %c0_i32 = arith.constant 0 : i32
    %c0_i32_0 = arith.constant 0 : i32
    %c0_i32_1 = arith.constant 0 : i32
    return %c0_i32, %c0_i32_0 : i32, i32
  }
  func.func @transform_12(%arg0: i32) -> (i32, i32) {
    %c0_i32 = arith.constant 0 : i32
    %c0_i32_0 = arith.constant 0 : i32
    return %arg0, %c0_i32 : i32, i32
  }
}

</mosaic_0001>

<sc_bundles>
// kernel: kernel.10.cloned.1.call-start
scs
__scs_entry_jumppad:
0x0: {  	(pc) =	sbr.rel $0x88, $3  }
0x1: {  	(tag) =	ssettag $0x0;
	lr =	simm.s32 $0x1  }
0x2: {  	[smem:$0x3F96] =	sst lr;
	_ =	strace $0xD0000000  }
0x3: {  	_ = 	snop  }
0x4: {  	_ = 	snop  }
0x5: {  	_ = 	snop  }
0x6: {  	_ = 	snop  }
0x7: {  	_ = 	snop  }
__scs_overlays_trampoline_lowered:
0x8: {  	[smem:$0x3FA5] =	sst s0  }
0x9: {  	[smem:$0x3FA6] =	sst s1  }
0xa: {  	[smem:$0x3FA7] =	sst s2  }
0xb: {  	[smem:$0x3FA8] =	sst s3  }
0xc: {  	[smem:$0x3FA9] =	sst s4  }
0xd: {  	[smem:$0x3FAA] =	sst s5  }
0xe: {  	[smem:$0x3FAB] =	sst s6  }
0xf: {  	[smem:$0x3FAC] =	sst s7  }
0x10: {  	[smem:$0x3FAD] =	sst s8  }
0x11: {  	[smem:$0x3FAE] =	sst s9;
	s0 =	simm.s32 @!p0 $0x0  }
0x12: {  	s1 =	sld [smem:$0x3F94];
	s0 =	simm.s32 @p0 $0x1  }
0x13: {  	[smem:$0x3FAF] =	sst s0;
	s0 =	simm.s32 @!p1 $0x0  }
0x14: {  	s2 =	sld [smem:$0x3F93];
	s0 =	simm.s32 @p1 $0x1  }
0x15: {  	[smem:$0x3FB0] =	sst s0;
	s0 =	simm.s32 @!p2 $0x0  }
0x16: {  	s3 =	sld [smem:$0x3FDB];
	s0 =	simm.s32 @p2 $0x1  }
0x17: {  	s4 =	simm.s32 $0x1BF5;
	[smem:$0x3FB2] =	sst s0  }
0x18: {  	s0 =	sld [smem:$0x3F95];
	_ =	swait.ge [sflag:s4], $0x0  }
0x19: {  	s7 =	sld [smem:$0x3F96]  }
0x1a: {  	s8 =	sadd.s32 $0xFFFFE003, lr  }
0x1b: {  	s9 =	sadd.s32 $0xFFFFFEF7, lr;
	s5 =	simm.s32 $0xFFFFFFFF;
	p2 =	slt.u32 s8, $0xFFFFF086  }
0x1c: {  	p1 =	slt.u32 s9, $0xF7A;
	s5 =	simm.s32 @!p2 $0x0  }
0x1d: {  	s5 =	simm.s32 @p1 $0x1;
	p0 =	seq.s32 s7, s2  }
0x1e: {  	s7 =	smul.u32 @!p0 $0xF7A, s2;
	p2 =	seq.s32 @!p0 s5, $0x0  }
0x1f: {  	s9 =	smul.u32 $0xF7A, s1;
	s8 =	simm.s32 @!p0 $0x1BF5;
	p2 =	por !p2, p0  }
0x20: {  	[sflag:s8] =	ssyncset.s32 @!p0 $0xFFFFF086;
	s6 =	sadd.s32 @!p0 s3, s7;
	s7 =	simm.s32 @!p0 $0x108  }
0x21: {  	s3 =	sadd.s32 s3, s9;
	s6 =	sadd.s32 @!p0 $0x88, s6;
	s7 =	simm.s32 @p2 $0x1082  }
0x22: {  	[simem:s7], [sflag:s8] =	dma.local @!p0 [hbm:s6], $0xF7A  }
0x23: {  	s9 =	sor.u32 $0xD0000000, s2;
	s6 =	simm.s32 $0x108;
	_ =	swait.ge @!p0 [sflag:s8], $0x0  }
0x24: {  	s3 =	sadd.s32 $0x88, s3;
	s6 =	simm.s32 @!p1 $0x1082;
	[sflag:s4] =	ssyncset.s32 $0xFFFFF086  }
0x25: {  	[simem:s6], [sflag:s4] =	dma.local [hbm:s3], $0xF7A  }
0x26: {  	[smem:$0x3F96] =	sst s1;
	(tag) =	ssettag s2;
	_ =	strace s9  }
0x27: {  	s1 =	sld [smem:$0x3FA6]  }
0x28: {  	s2 =	sld [smem:$0x3FA7]  }
0x29: {  	s4 =	sld [smem:$0x3FA9]  }
0x2a: {  	p0 =	seq.s32 s5, $0x0;
	s5 =	sld [smem:$0x3FAA]  }
0x2b: {  	s6 =	sld [smem:$0x3FAB]  }
0x2c: {  	s7 =	sld [smem:$0x3FAC]  }
0x2d: {  	s3 =	simm.s32 $0x108;
	s8 =	sld [smem:$0x3FAD]  }
0x2e: {  	s3 =	simm.s32 @!p0 $0x1082;
	s9 =	sld [smem:$0x3FAE]  }
0x2f: {  	lr =	sadd.s32 s0, s3;
	s0 =	sld [smem:$0x3FA5]  }
0x30: {  	s3 =	sld [smem:$0x3FA8]  }
0x31: {  	[smem:$0x3FB1] =	sst s10  }
0x32: {  	s10 =	sld [smem:$0x3FAF];
	_ =	sdelay $0x3  }
0x33: {  	p0 =	seq.s32 s10, $0x1;
	s10 =	sld [smem:$0x3FB1];
	_ =	sdelay $0x3  }
0x34: {  	[smem:$0x3FB1] =	sst s10  }
0x35: {  	s10 =	sld [smem:$0x3FB0];
	_ =	sdelay $0x3  }
0x36: {  	p1 =	seq.s32 s10, $0x1;
	s10 =	sld [smem:$0x3FB1];
	_ =	sdelay $0x3  }
0x37: {  	[smem:$0x3FB1] =	sst s10  }
0x38: {  	s10 =	sld [smem:$0x3FB2]  }
0x39: {  	_ = 	snop;
	(pc) =	sbr.ind lr, $3  }
0x3a: {  	_ = 	snop  }
0x3b: {  	_ = 	snop  }
0x3c: {  	p2 =	seq.s32 s10, $0x1;
	s10 =	sld [smem:$0x3FB1]  }
0x3d: {  	_ =	shalt  }
0x3e: {  	_ =	shalt  }
0x3f: {  	_ =	shalt  }
0x40: {  	_ =	shalt  }
0x41: {  	_ =	shalt  }
0x42: {  	_ =	shalt  }
0x43: {  	_ =	shalt  }
0x44: {  	_ =	shalt  }
0x45: {  	_ =	shalt  }
0x46: {  	_ =	shalt  }
0x47: {  	_ =	shalt  }
0x48: {  	_ =	shalt  }
0x49: {  	_ =	shalt  }
0x4a: {  	_ =	shalt  }
0x4b: {  	_ =	shalt  }
0x4c: {  	_ =	shalt  }
0x4d: {  	_ =	shalt  }
0x4e: {  	_ =	shalt  }
0x4f: {  	_ =	shalt  }
0x50: {  	_ =	shalt  }
0x51: {  	_ =	shalt  }
0x52: {  	_ =	shalt  }
0x53: {  	_ =	shalt  }
0x54: {  	_ =	shalt  }
0x55: {  	_ =	shalt  }
0x56: {  	_ =	shalt  }
0x57: {  	_ =	shalt  }
0x58: {  	_ =	shalt  }
0x59: {  	_ =	shalt  }
0x5a: {  	_ =	shalt  }
0x5b: {  	_ =	shalt  }
0x5c: {  	_ =	shalt  }
0x5d: {  	_ =	shalt  }
0x5e: {  	_ =	shalt  }
0x5f: {  	_ =	shalt  }
0x60: {  	_ =	shalt  }
0x61: {  	_ =	shalt  }
0x62: {  	_ =	shalt  }
0x63: {  	_ =	shalt  }
0x64: {  	_ =	shalt  }
0x65: {  	_ =	shalt  }
0x66: {  	_ =	shalt  }
0x67: {  	_ =	shalt  }
0x68: {  	_ =	shalt  }
0x69: {  	_ =	shalt  }
0x6a: {  	_ =	shalt  }
0x6b: {  	_ =	shalt  }
0x6c: {  	_ =	shalt  }
0x6d: {  	_ =	shalt  }
0x6e: {  	_ =	shalt  }
0x6f: {  	_ =	shalt  }
0x70: {  	_ =	shalt  }
0x71: {  	_ =	shalt  }
0x72: {  	_ =	shalt  }
0x73: {  	_ =	shalt  }
0x74: {  	_ =	shalt  }
0x75: {  	_ =	shalt  }
0x76: {  	_ =	shalt  }
0x77: {  	_ =	shalt  }
0x78: {  	_ =	shalt  }
0x79: {  	_ =	shalt  }
0x7a: {  	_ =	shalt  }
0x7b: {  	_ =	shalt  }
0x7c: {  	_ =	shalt  }
0x7d: {  	_ =	shalt  }
0x7e: {  	_ =	shalt  }
0x7f: {  	_ =	shalt  }
0x80: {  	_ =	shalt  }
0x81: {  	_ =	shalt  }
0x82: {  	_ =	shalt  }
0x83: {  	_ =	shalt  }
0x84: {  	_ =	shalt  }
0x85: {  	_ =	shalt  }
0x86: {  	_ =	shalt  }
0x87: {  	_ =	shalt  }
.Lfunc_end0:
.L_simem_size_0:
called_computation.1_lowered:
.L_overlay_start_0:
0x88: {  	s2 =	sld [smem:$0x3FD9]  }
0x89: {  	s3 =	sld [smem:$0x3FFE];
	_ =	sdelay $0x1  }
0x8a: {  	s1 =	srdreg.scid  }
0x8b: {  	s0 =	sand.u32 $0x1, s1  }
0x8c: {  	s16 =	sshll.u32 s0, $0xA;
	s2 =	sadd.s32 s3, s2  }
0x8d: {  	s2 =	sadd.s32 s2, s16  }
0x8e: {  	[smem:$0x3FBD] =	sst s2  }
0x8f: {  	_ = 	snop  }
0x90: {  	(tm) =	ssettm $0x1  }
0x91: {  	s17 =	sld [smem:$0x3FFB];
	_ =	sdelay $0x3  }
0x92: {  	_ =	strace s17  }
0x93: {  	s2 =	sld [smem:$0x3FFC];
	_ =	sdelay $0x3  }
0x94: {  	_ =	strace s2  }
0x95: {  	s2 =	sld [smem:$0x3FFD];
	_ =	sdelay $0x3  }
0x96: {  	_ =	strace s2  }
0x97: {  	_ =	strace $0x8FFFFFFF  }
0x98: {  	s18 =	sld [smem:$0x3FDB];
	_ =	sdelay $0x1  }
0x99: {  	s19 =	simm.s32 $_scs_section_size  }
0x9a: {  	s4 =	simm.s32 $_size__tile_overlayer_lowered;
	s5 =	simm.s32 $_tile_overlayer_lowered  }
0x9b: {  	s22 =	simm.s32 $0x1BFF;
	s21 =	sshll.u32 s5, $0x1;
	s2 =	sadd.s32 s19, s18  }
0x9c: {  	s6 =	simm.s32 $0x0;
	s20 =	sshll.u32 s4, $0x1;
	s4 =	sadd.s32 s21, s2  }
0x9d: {  	[timem:s6], [sflag:s22] =	dma.local [hbm:s4], s20  }
0x9e: {  	_ =	swait.ge [sflag:s22], s20  }
0x9f: {  	s3 =	ssub.s32 $0x0, s20;
	[sflag:s22] =	ssyncset.done $0x0  }
0xa0: {  	[sflag:s22] =	ssyncadd.s32 s3;
	_ =	sdelay $0x1  }
0xa1: {  	s23 =	simm.s32 $0x1B8B  }
0xa2: {  	_ =	swait.ge [sflag:s23], $0x1  }
0xa3: {  	[sflag:s23] =	ssyncset.done $0x0  }
0xa4: {  	s25 =	simm.s32 $0x1B8E;
	s24 =	sld [smem:$0x3FFE];
	[sflag:s23] =	ssyncadd.s32 $0xFFFFFFFF  }
0xa5: {  	s26 =	simm.s32 $execute0_lowered;
	[smem:$0x3FD2] =	sst s25  }
0xa6: {  	s4 =	sshll.u32 s26, $0x1;
	_ =	strace $0x80000049;
	[dreg:$0x1] =	wrdreg $0xFFFFFFFF  }
0xa7: {  	s28 =	simm.s32 $_size_execute0_lowered;
	s2 =	sadd.s32 s2, s4;
	[dreg:$0x0] =	wrdreg $0x0  }
0xa8: {  	s4 =	sshll.u32 s28, $0x1;
	[dreg:$0x2] =	wrdreg s2  }
0xa9: {  	[dreg:$0x3] =	wrdreg s4  }
0xaa: {  	[dreg:$0x4] =	wrdreg $0xC0  }
0xab: {  	_ =	task [dreg:s6], $0x5FFFF  }
0xac: {  	[dreg:$0x1] =	wrdreg $0xFFFFFFFF  }
0xad: {  	[dreg:$0x0] =	wrdreg $0x60  }
0xae: {  	[dreg:$0x2] =	wrdreg s24  }
0xaf: {  	[dreg:$0x3] =	wrdreg $0x0  }
0xb0: {  	[dreg:$0x4] =	wrdreg $0x9  }
0xb1: {  	_ =	task.clear_ibuf [dreg:s6], $0x5FFFF;
	_ =	strace $0x90000049  }
0xb2: {  	s29 =	simm.s32 $0x9;
	_ =	strace $0x8000004B  }
0xb3: {  	_ =	swait.ge [sflag:s29], $0x1  }
0xb4: {  	[sflag:s29] =	ssyncadd.s32 $0xFFFFFFFF  }
0xb5: {  	_ =	strace $0x9000004B  }
0xb6: {  	_ =	sfence  }
0xb7: {  	s30 =	sld [smem:$0x0];
	_ =	sdelay $0x2  }
0xb8: {  	s31 =	sshll.u32 s1, $0xD;
	s1 =	sshrl.u32 s1, $0x2  }
0xb9: {  	s3 =	sand.u32 $0x4000, s31;
	s1 =	sadd.s32 s1, s30  }
0xba: {  	s0 =	sor.u32 s3, s0;
	s1 =	sshll.u32 s1, $0x11  }
0xbb: {  	s0 =	sor.u32 s1, s0  }
0xbc: {  	s0 =	sadd.s32 $0x8F2B, s0  }
0xbd: {  	[sflag:s0] =	ssyncadd.remote.s32 $0x1  }
0xbe: {  	_ =	sfence.sel $0xFFFF  }
0xbf: {  	[dreg:$0x0] =	wrdreg $0xFFFFFFFF;
	(pc) =	sbr.abs _section_cstart, $3  }
0xc0: {  	[dreg:$0x1] =	wrdreg $0xFFFFFFFF  }
0xc1: {  	_ =	task.clear_ibuf [dreg:s6], $0x2FFFF;
	_ =	strace $0x9FFFFFFF  }
0xc2: {  	(tm) =	ssettm $0x7FFFFFFF  }
0xc3: {  	_ =	shalt  }
tec
execute0_lowered:
.L_overlay_start_1:
0x0: {  	(tag) =	ssettag $0x1  }
0x1: {  	s0 =	rddreg [dreg:$0x0]  }
0x2: {  	s1 =	srdreg.scid;
	s11 =	stileid.u32  }
0x3: {  	s2 =	rddreg [dreg:$0x1];
	s3 =	simm.s32 $0x0;
	s16 =	simm.s32 $0x1  }
0x4: {  	s17 =	simm.s32 $0xEF00;
	s18 =	simm.s32 $0x4;
	s19 =	simm.s32 $0x80  }
0x5: {  	s20 =	simm.s32 $0xA000;
	s23 =	simm.s32 $0x2;
	s24 =	simm.s32 $0x3  }
0x6: {  	s25 =	simm.s32 $0x0;
	s1 =	sand.u32 $0x1, s1;
	s6 =	smul.u32 $0xA000, s11  }
0x7: {  	[smem:$0x7FF] =	sst s3;
	s14 =	sadd.s32 $0x2200, s0;
	s29 =	smul.u32 $0x28000, s11  }
0x8: {  	s4 =	smul.u32 $0xA0000, s1;
	_ =	strace $0x8000004A;
	s28 =	ssub.s32 $0x2, s1  }
0x9: {  	s7 =	sshll.u32 s1, $0x4;
	s1 =	smul.u32 $0x4E0, s1;
	s8 =	sshrl.u32 s28, $0x1  }
0xa: {  	s9 =	sor.u32 s11, s7;
	s7 =	sshrl.u32 s29, $0x2;
	s11 =	smul.u32 $0x4E, s11  }
0xb: {  	s5 =	sadd.s32 s6, s4;
	s4 =	sadd.s32 $0x15C00, s0;
	s12 =	ssub.s32 s28, s8  }
0xc: {  	p0 =	slt.u32 s9, $0x4;
	s6 =	sadd.s32 s6, s2;
	s10 =	sadd.s32 s7, s2  }
0xd: {  	s13 =	smin.u32 s9, $0x4;
	s5 =	sshrl.u32 s5, $0x3;
	s7 =	sadd.s32 $0x2000, s10  }
0xe: {  	s8 =	sadd.s32 $0x4000, s10;
	s9 =	sadd.s32 $0x6000, s10;
	s15 =	sadd.s32 s11, s1  }
0xf: {  	s1 =	sor.u32 s1, s13;
	s10 =	sadd.s32 $0x8000, s10;
	s12 =	smax.u32 s12, $0x1  }
0x10: {  	s0 =	sadd.s32 s5, s0;
	s5 =	simm.s32 $0x4F;
	s1 =	sadd.s32 s11, s1  }
0x11: {  	s13 =	sadd.s32 s13, s15;
	s5 =	simm.s32 @!p0 $0x4E;
	s1 =	sshll.u32 s1, $0x4  }
0x12: {  	s11 =	sadd.s32 $0x29C00, s0;
	s30 =	sshll.u32 s13, $0x4;
	s31 =	sadd.s32 s1, s14  }
0x13: {  	v0 =	vimm.f32 $0.0e+00;
	s13 =	sadd.s32 s30, s14;
	s15 =	sadd.s32 $0xFFFFFFB4, s5;
	s14 =	sadd.s32 $0x9C40, s31  }
.LBB2_1:
0x14: {  	p0 =	sne.s32 s5, $0x1  }
.Ltmp0:
0x15: {  	_ = 	snop;
	(pc) =	sbr.rel @!p0 .LBB2_3-.Ltmp0, $3  }
0x16: {  	_ =	sdelay $0x1  }
0x17: {  	[tilespmem:s20], [sflag:$0x1] =	stream.linear.gather [hbm4b:s13+s3], $0x80, $0x38;
	[tilespmem:$0x1EF00] =	vst v63  }
0x18: {  	s0 =	sadd.s32 $0xFFFFFFFF, s5;
	s1 =	simm.s32 $0xA000;
	s26 =	smov.u32 s13  }
.LBB2_2:
0x19: {  	p1 =	sne.s32 s0, $0x1  }
.Ltmp1:
0x1a: {  	_ = 	snop;
	(pc) =	sbr.rel @p1 .LBB2_2-.Ltmp1, $4  }
0x1b: {  	_ = 	snop  }
0x1c: {  	s1 =	sadd.s32 $0x80, s1;
	s26 =	sadd.s32 $0x10, s26  }
0x1d: {  	s0 =	sadd.s32 $0xFFFFFFFF, s0  }
0x1e: {  	[tilespmem:s1], [sflag:$0x1] =	stream.linear.gather [hbm4b:s26+s3], $0x80, $0x38;
	[tilespmem:$0x1EF00] =	vst v63  }
.LBB2_3:
0x1f: {  	s0 =	smov.u32 s5  }
.LBB2_4:
0x20: {  	p1 =	sne.s32 s0, $0x1  }
.Ltmp2:
0x21: {  	_ = 	snop;
	(pc) =	sbr.rel @p1 .LBB2_4-.Ltmp2, $4  }
0x22: {  	_ = 	snop  }
0x23: {  	_ =	swait.ge [sflag:s16], $0x80  }
0x24: {  	[sflag:s16] =	ssyncset.done $0x0  }
0x25: {  	s0 =	sadd.s32 $0xFFFFFFFF, s0;
	[sflag:s16] =	ssyncadd.s32 $0xFFFFFF80  }
.Ltmp3:
0x26: {  	(pc) =	sbr.rel @!p0 .LBB2_7-.Ltmp3, $3  }
0x27: {  	_ =	sdelay $0x1  }
0x28: {  	s0 =	simm.s32 $0xC780;
	s1 =	sadd.s32 $0xFFFFFFFF, s5;
	s26 =	smov.u32 s14  }
0x29: {  	[tilespmem:s0], [sflag:$0x1] =	stream.linear.gather [hbm4b:s14+s3], $0x80, $0x38;
	[tilespmem:$0x1EF00] =	vst v63  }
.LBB2_6:
0x2a: {  	p0 =	sne.s32 s1, $0x1  }
.Ltmp4:
0x2b: {  	_ = 	snop;
	(pc) =	sbr.rel @p0 .LBB2_6-.Ltmp4, $4  }
0x2c: {  	_ = 	snop  }
0x2d: {  	s0 =	sadd.s32 $0x80, s0;
	s26 =	sadd.s32 $0x10, s26  }
0x2e: {  	s1 =	sadd.s32 $0xFFFFFFFF, s1  }
0x2f: {  	[tilespmem:s0], [sflag:$0x1] =	stream.linear.gather [hbm4b:s26+s3], $0x80, $0x38;
	[tilespmem:$0x1EF00] =	vst v63  }
.LBB2_7:
0x30: {  	s0 =	smov.u32 s5  }
.LBB2_8:
0x31: {  	p0 =	sne.s32 s0, $0x1  }
.Ltmp5:
0x32: {  	_ = 	snop;
	(pc) =	sbr.rel @p0 .LBB2_8-.Ltmp5, $4  }
0x33: {  	_ = 	snop  }
0x34: {  	_ =	swait.ge [sflag:s16], $0x80  }
0x35: {  	[sflag:s16] =	ssyncset.done $0x0  }
0x36: {  	s0 =	sadd.s32 $0xFFFFFFFF, s0;
	[sflag:s16] =	ssyncadd.s32 $0xFFFFFF80  }
0x37: {  	s1 =	simm.s32 $0x0  }
0x38: {  	s0 =	sand.u32 $0x7F00, s1  }
0x39: {  	s28 =	sand.u32 $0x30, s1;
	s0 =	sshrl.u32 s0, $0x2  }
0x3a: {  	s26 =	simm.s32 $0x40;
	s0 =	sor.u32 s28, s0  }
.LBB2_10:
0x3b: {  	p0 =	sne.s32 s26, $0x7FC0  }
0x3c: {  	[tilespmem:s0+$0xEF00] =	vst v0;
	s1 =	sadd.s32 $0x10, s1;
	s0 =	smov.u32 s26;
	s26 =	sadd.s32 $0x40, s26  }
.Ltmp6:
0x3d: {  	(pc) =	sbr.rel @p0 .LBB2_10-.Ltmp6, $4  }
0x3e: {  	_ = 	snop  }
0x3f: {  	s0 =	sand.u32 $0x7F00, s0  }
0x40: {  	s28 =	sand.u32 $0x30, s1;
	s0 =	sshrl.u32 s0, $0x2  }
0x41: {  	s0 =	sor.u32 s28, s0  }
0x42: {  	[tilespmem:s0+$0xEF00] =	vst v0  }
0x43: {  	[spmem:s6] =	stream.linear.scatter [tilespmem:s17], [sflag:$0x4], $0x2000, $0x38;
	[tilespmem:$0x1EF00] =	vst v63  }
0x44: {  	_ =	swait.ge [sflag:s18], $0x2000  }
0x45: {  	[sflag:s18] =	ssyncset.done $0x0  }
0x46: {  	[sflag:s18] =	ssyncadd.s32 $0xFFFFE000  }
0x47: {  	[spmem:s7] =	stream.linear.scatter [tilespmem:s17], [sflag:$0x4], $0x2000, $0x38;
	[tilespmem:$0x1EF00] =	vst v63  }
0x48: {  	_ =	swait.ge [sflag:s18], $0x2000  }
0x49: {  	[sflag:s18] =	ssyncset.done $0x0  }
0x4a: {  	[sflag:s18] =	ssyncadd.s32 $0xFFFFE000  }
0x4b: {  	[spmem:s8] =	stream.linear.scatter [tilespmem:s17], [sflag:$0x4], $0x2000, $0x38;
	[tilespmem:$0x1EF00] =	vst v63  }
0x4c: {  	_ =	swait.ge [sflag:s18], $0x2000  }
0x4d: {  	[sflag:s18] =	ssyncset.done $0x0  }
0x4e: {  	[sflag:s18] =	ssyncadd.s32 $0xFFFFE000  }
0x4f: {  	[spmem:s9] =	stream.linear.scatter [tilespmem:s17], [sflag:$0x4], $0x2000, $0x38;
	[tilespmem:$0x1EF00] =	vst v63  }
0x50: {  	_ =	swait.ge [sflag:s18], $0x2000  }
0x51: {  	[sflag:s18] =	ssyncset.done $0x0  }
0x52: {  	[sflag:s18] =	ssyncadd.s32 $0xFFFFE000  }
0x53: {  	[spmem:s10] =	stream.linear.scatter [tilespmem:s17], [sflag:$0x4], $0x2000, $0x38;
	[tilespmem:$0x1EF00] =	vst v63  }
0x54: {  	_ =	swait.ge [sflag:s18], $0x2000  }
0x55: {  	[sflag:s18] =	ssyncset.done $0x0  }
0x56: {  	[sflag:s18] =	ssyncadd.s32 $0xFFFFE000  }
0x57: {  	[bflag:$0x0] =	sbarrier.arrive $0xFFFF  }
0x58: {  	[tilespmem:s17], [sflag:$0x2] =	stream.indirect.gather [hbm4b:s4+s19], $0x40, s20, s19, $0xb8;
	[tilespmem:$0x1EF00] =	vst v63  }
0x59: {  	s26 =	simm.s32 $0xA080;
	s1 =	simm.s32 $0x10F00  }
0x5a: {  	[tilespmem:s1], [sflag:$0x2] =	stream.indirect.gather [hbm4b:s4+s19], $0x40, s26, s19, $0xb8;
	[tilespmem:$0x1EF00] =	vst v63  }
0x5b: {  	s21 =	simm.s32 $0x12F00;
	s1 =	simm.s32 $0xA100  }
0x5c: {  	[tilespmem:s21], [sflag:$0x2] =	stream.indirect.gather [hbm4b:s4+s19], $0x40, s1, s19, $0xb8;
	[tilespmem:$0x1EF00] =	vst v63  }
0x5d: {  	s22 =	simm.s32 $0xA180;
	s26 =	simm.s32 $0x14F00  }
0x5e: {  	[tilespmem:s26], [sflag:$0x2] =	stream.indirect.gather [hbm4b:s4+s19], $0x40, s22, s19, $0xb8;
	[tilespmem:$0x1EF00] =	vst v63  }
0x5f: {  	s1 =	simm.s32 $0xA200;
	s21 =	simm.s32 $0x16F00  }
0x60: {  	[tilespmem:s21], [sflag:$0x2] =	stream.indirect.gather [hbm4b:s4+s19], $0x40, s1, s19, $0xb8;
	[tilespmem:$0x1EF00] =	vst v63  }
0x61: {  	s22 =	simm.s32 $0xA280;
	s26 =	simm.s32 $0x18F00  }
0x62: {  	[tilespmem:s26], [sflag:$0x2] =	stream.indirect.gather [hbm4b:s4+s19], $0x40, s22, s19, $0xb8;
	[tilespmem:$0x1EF00] =	vst v63  }
0x63: {  	s1 =	simm.s32 $0xA300;
	s21 =	simm.s32 $0x1AF00  }
0x64: {  	[tilespmem:s21], [sflag:$0x2] =	stream.indirect.gather [hbm4b:s4+s19], $0x40, s1, s19, $0xb8;
	[tilespmem:$0x1EF00] =	vst v63  }
0x65: {  	s22 =	simm.s32 $0xA380;
	s26 =	simm.s32 $0x1CF00  }
0x66: {  	[tilespmem:s26], [sflag:$0x2] =	stream.indirect.gather [hbm4b:s4+s19], $0x40, s22, s19, $0xb8;
	[tilespmem:$0x1EF00] =	vst v63  }
0x67: {  	_ =	swait.ge [sflag:s23], $0x2000  }
0x68: {  	[sflag:s23] =	ssyncset.done $0x0  }
0x69: {  	[sflag:s23] =	ssyncadd.s32 $0xFFFFE000  }
0x6a: {  	s21 =	simm.s32 $0x0;
	_ =	swait.ge [sflag:s23], $0x2000  }
0x6b: {  	s0 =	sand.u32 $0xC000, s21;
	[sflag:s23] =	ssyncset.done $0x0  }
0x6c: {  	s26 =	sadd.s32 $0xEF00, s0;
	s22 =	simm.s32 $0xC780;
	[sflag:s23] =	ssyncadd.s32 $0xFFFFE000  }
0x6d: {  	[spmem:s2] =	stream.indirect.scatter.add.f32 [tilespmem:s26], [sflag:$0x3], $0x40, s22, s19, $0xb8;
	[tilespmem:$0x1EF00] =	vst v63  }
0x6e: {  	s28 =	simm.s32 $0xC800;
	s1 =	sor.u32 $0x10F00, s0  }
0x6f: {  	[spmem:s2] =	stream.indirect.scatter.add.f32 [tilespmem:s1], [sflag:$0x3], $0x40, s28, s19, $0xb8;
	[tilespmem:$0x1EF00] =	vst v63  }
0x70: {  	_ =	swait.ge [sflag:s24], $0x2000  }
0x71: {  	[sflag:s24] =	ssyncset.done $0x0  }
0x72: {  	[sflag:s24] =	ssyncadd.s32 $0xFFFFE000  }
0x73: {  	p1 =	por $0x0, $0x0;
	_ =	swait.ge [sflag:s24], $0x2000  }
0x74: {  	s31 =	simm.s32 $0xA480;
	s29 =	simm.s32 $0xC900;
	[sflag:s24] =	ssyncset.done $0x0  }
0x75: {  	s0 =	simm.s32 @!p1 $0x80;
	s28 =	simm.s32 @!p1 $0xA400;
	[sflag:s24] =	ssyncadd.s32 $0xFFFFE000  }
0x76: {  	[tilespmem:s26], [sflag:$0x2] =	stream.indirect.gather @!p1 [hbm4b:s4+s0], $0x40, s28, s0, $0xb8;
	[tilespmem:$0x1EF00] =	vst v63  }
0x77: {  	s30 =	simm.s32 $0x10000;
	s26 =	simm.s32 $0x1;
	s28 =	simm.s32 $0xA580  }
.LBB2_12:
0x78: {  	[tilespmem:s1], [sflag:$0x2] =	stream.indirect.gather @!p1 [hbm4b:s4+s0], $0x40, s31, s0, $0xb8;
	[tilespmem:$0x1EF00] =	vst v63  }
0x79: {  	s0 =	smov.u32 s26;
	s26 =	sadd.s32 $0x1, s26;
	_ =	swait.ge [sflag:s23], $0x2000  }
0x7a: {  	s31 =	smov.u32 s28;
	p0 =	sne.s32 s26, $0x26;
	[sflag:s23] =	ssyncset.done $0x0  }
0x7b: {  	[sflag:s23] =	ssyncadd.s32 $0xFFFFE000  }
0x7c: {  	s1 =	sshrl.u32 s30, $0x2;
	_ =	swait.ge [sflag:s23], $0x2000  }
0x7d: {  	s1 =	sand.u32 $0xC000, s1;
	[sflag:s23] =	ssyncset.done $0x0  }
0x7e: {  	s22 =	sadd.s32 $0xFFFFFF80, s29;
	s21 =	sadd.s32 $0xEF00, s1;
	[sflag:s23] =	ssyncadd.s32 $0xFFFFE000  }
0x7f: {  	[spmem:s2] =	stream.indirect.scatter.add.f32 [tilespmem:s21], [sflag:$0x3], $0x40, s22, s19, $0xb8;
	[tilespmem:$0x1EF00] =	vst v63  }
0x80: {  	s1 =	sor.u32 $0x10F00, s1  }
0x81: {  	[spmem:s2] =	stream.indirect.scatter.add.f32 [tilespmem:s1], [sflag:$0x3], $0x40, s29, s19, $0xb8;
	[tilespmem:$0x1EF00] =	vst v63  }
0x82: {  	_ =	swait.ge [sflag:s24], $0x2000  }
0x83: {  	[sflag:s24] =	ssyncset.done $0x0  }
0x84: {  	[sflag:s24] =	ssyncadd.s32 $0xFFFFE000  }
.Ltmp7:
0x85: {  	_ =	swait.ge [sflag:s24], $0x2000;
	(pc) =	sbr.rel @p0 .LBB2_12-.Ltmp7, $4  }
0x86: {  	p1 =	sgt.u32 s0, $0x21;
	[sflag:s24] =	ssyncset.done $0x0  }
0x87: {  	s0 =	simm.s32 @!p1 $0x80;
	s22 =	sadd.s32 @!p1 $0xFFFFFF80, s28;
	[sflag:s24] =	ssyncadd.s32 $0xFFFFE000  }
0x88: {  	[tilespmem:s21], [sflag:$0x2] =	stream.indirect.gather @!p1 [hbm4b:s4+s0], $0x40, s22, s0, $0xb8;
	[tilespmem:$0x1EF00] =	vst v63  }
0x89: {  	s30 =	sadd.s32 $0x10000, s30;
	s28 =	sadd.s32 $0x100, s28;
	s29 =	sadd.s32 $0x100, s29  }
0x8a: {  	[tilespmem:s1], [sflag:$0x2] =	stream.indirect.gather @!p1 [hbm4b:s4+s0], $0x40, s31, s0, $0xb8;
	[tilespmem:$0x1EF00] =	vst v63  }
0x8b: {  	s1 =	simm.s32 $0xC600  }
0x8c: {  	[tilespmem:s17], [sflag:$0x2] =	stream.indirect.gather [hbm4b:s4+s19], $0x40, s1, s19, $0xb8;
	[tilespmem:$0x1EF00] =	vst v63  }
0x8d: {  	p0 =	sne.s32 s15, $0x1;
	_ =	swait.ge [sflag:s23], $0x2000  }
.Ltmp8:
0x8e: {  	[sflag:s23] =	ssyncset.done $0x0;
	(pc) =	sbr.rel @!p0 .LBB2_15-.Ltmp8, $4  }
0x8f: {  	s26 =	simm.s32 $0xED80;
	[sflag:s23] =	ssyncadd.s32 $0xFFFFE000  }
0x90: {  	[spmem:s2] =	stream.indirect.scatter.add.f32 [tilespmem:s17], [sflag:$0x4], $0x40, s26, s19, $0xb8;
	[tilespmem:$0x1EF00] =	vst v63  }
0x91: {  	_ =	swait.ge [sflag:s18], $0x2000  }
0x92: {  	s28 =	sadd.s32 $0xFFFFFFFF, s15;
	[sflag:s18] =	ssyncset.done $0x0  }
.LBB2_14:
0x93: {  	[sflag:s18] =	ssyncadd.s32 $0xFFFFE000;
	s1 =	sadd.s32 $0x80, s1;
	s26 =	sadd.s32 $0x80, s26  }
0x94: {  	[tilespmem:s17], [sflag:$0x2] =	stream.indirect.gather [hbm4b:s4+s19], $0x40, s1, s19, $0xb8;
	[tilespmem:$0x1EF00] =	vst v63  }
0x95: {  	p0 =	sne.s32 s28, $0x1;
	s28 =	sadd.s32 $0xFFFFFFFF, s28;
	_ =	swait.ge [sflag:s23], $0x2000  }
.Ltmp9:
0x96: {  	[sflag:s23] =	ssyncset.done $0x0;
	(pc) =	sbr.rel @p0 .LBB2_14-.Ltmp9, $4  }
0x97: {  	[sflag:s23] =	ssyncadd.s32 $0xFFFFE000  }
0x98: {  	[spmem:s2] =	stream.indirect.scatter.add.f32 [tilespmem:s17], [sflag:$0x4], $0x40, s26, s19, $0xb8;
	[tilespmem:$0x1EF00] =	vst v63  }
0x99: {  	_ =	swait.ge [sflag:s18], $0x2000  }
0x9a: {  	[sflag:s18] =	ssyncset.done $0x0  }
.LBB2_15:
0x9b: {  	[sflag:s18] =	ssyncadd.s32 $0xFFFFE000;
	s0 =	stileid.u32;
	s25 =	sadd.s32 $0x1, s25  }
0x9c: {  	s1 =	sshrl.u32 s6, $0x3;
	s0 =	sshll.u32 s0, $0x6;
	p0 =	sne.s32 s25, s12  }
.Ltmp10:
0x9d: {  	[bflag:$0x0] =	sbarrier.arrive $0xFFFF;
	s0 =	sor.u32 $0x1C04, s0;
	(pc) =	sbr.rel @p0 .LBB2_1-.Ltmp10, $4  }
0x9e: {  	[hbm:s11], [sflag:s0] =	dma.local [spmem:s1], $0x1400  }
0x9f: {  	_ =	swait.ge [sflag:s18], $0x1400  }
0xa0: {  	[sflag:s18] =	ssyncset.done $0x0  }
0xa1: {  	[sflag:s18] =	ssyncadd.s32 $0xFFFFEC00  }
0xa2: {  	_ =	sfence.sel $0x180000  }
0xa3: {  	[bflag:$0x0] =	sbarrier.arrive $0xFFFF  }
0xa4: {  	_ =	strace $0x9000004A  }
0xa5: {  	s0 =	stileid.u32;
	[bflag:$0x2] =	sbarrier.arrive $0xFFFF  }
0xa6: {  	p0 =	sne.s32 s0, $0x0;
	s0 =	rddreg [dreg:$0x2]  }
0xa7: {  	s0 =	sadd.s32 @!p0 $0x100000, s0  }
0xa8: {  	[sflag:s0] =	ssyncadd.tile.s32 @!p0 $0x1;
	_ =	shalt  }
.Lfunc_end2:
_tile_overlayer_lowered:
.L_overlay_start_2:
0xa9: {  	(tag) =	ssettag $0x2  }
0xaa: {  	s0 =	rddreg [dreg:$0x0];
	s2 =	stileid.u32  }
0xab: {  	s1 =	rddreg [dreg:$0x1];
	p0 =	sne.s32 s2, $0x0  }
0xac: {  	s3 =	rddreg [dreg:$0x2];
	[bflag:$0x3] =	sbarrier.arrive $0xFFFF;
	s2 =	simm.s32 @!p0 $0x1C04  }
0xad: {  	[timem:s3], [sflag:s2] =	dma.local @!p0 [hbm:s0], s1  }
0xae: {  	s0 =	simm.s32 @!p0 $0x4  }
0xaf: {  	_ =	swait.ge @!p0 [sflag:s0], s1  }
0xb0: {  	s1 =	ssub.s32 @!p0 $0x0, s1;
	[sflag:s0] =	ssyncset.done @!p0 $0x0  }
0xb1: {  	[sflag:s0] =	ssyncadd.s32 @!p0 s1  }
0xb2: {  	[bflag:$0x3] =	sbarrier.arrive $0xFFFF  }
0xb3: {  	_ =	shalt  }

// kernel: kernel.7.cloned.1.call-start
scs
__scs_entry_jumppad:
0x0: {  	(pc) =	sbr.rel $0x88, $3  }
0x1: {  	(tag) =	ssettag $0x0;
	lr =	simm.s32 $0x1  }
0x2: {  	[smem:$0x3F96] =	sst lr;
	_ =	strace $0xD0000000  }
0x3: {  	_ = 	snop  }
0x4: {  	_ = 	snop  }
0x5: {  	_ = 	snop  }
0x6: {  	_ = 	snop  }
0x7: {  	_ = 	snop  }
__scs_overlays_trampoline_lowered:
0x8: {  	[smem:$0x3FA5] =	sst s0  }
0x9: {  	[smem:$0x3FA6] =	sst s1  }
0xa: {  	[smem:$0x3FA7] =	sst s2  }
0xb: {  	[smem:$0x3FA8] =	sst s3  }
0xc: {  	[smem:$0x3FA9] =	sst s4  }
0xd: {  	[smem:$0x3FAA] =	sst s5  }
0xe: {  	[smem:$0x3FAB] =	sst s6  }
0xf: {  	[smem:$0x3FAC] =	sst s7  }
0x10: {  	[smem:$0x3FAD] =	sst s8  }
0x11: {  	[smem:$0x3FAE] =	sst s9;
	s0 =	simm.s32 @!p0 $0x0  }
0x12: {  	s1 =	sld [smem:$0x3F94];
	s0 =	simm.s32 @p0 $0x1  }
0x13: {  	[smem:$0x3FAF] =	sst s0;
	s0 =	simm.s32 @!p1 $0x0  }
0x14: {  	s2 =	sld [smem:$0x3F93];
	s0 =	simm.s32 @p1 $0x1  }
0x15: {  	[smem:$0x3FB0] =	sst s0;
	s0 =	simm.s32 @!p2 $0x0  }
0x16: {  	s3 =	sld [smem:$0x3FDB];
	s0 =	simm.s32 @p2 $0x1  }
0x17: {  	s4 =	simm.s32 $0x1BF5;
	[smem:$0x3FB2] =	sst s0  }
0x18: {  	s0 =	sld [smem:$0x3F95];
	_ =	swait.ge [sflag:s4], $0x0  }
0x19: {  	s7 =	sld [smem:$0x3F96]  }
0x1a: {  	s8 =	sadd.s32 $0xFFFFE003, lr  }
0x1b: {  	s9 =	sadd.s32 $0xFFFFFEF7, lr;
	s5 =	simm.s32 $0xFFFFFFFF;
	p2 =	slt.u32 s8, $0xFFFFF086  }
0x1c: {  	p1 =	slt.u32 s9, $0xF7A;
	s5 =	simm.s32 @!p2 $0x0  }
0x1d: {  	s5 =	simm.s32 @p1 $0x1;
	p0 =	seq.s32 s7, s2  }
0x1e: {  	s7 =	smul.u32 @!p0 $0xF7A, s2;
	p2 =	seq.s32 @!p0 s5, $0x0  }
0x1f: {  	s9 =	smul.u32 $0xF7A, s1;
	s8 =	simm.s32 @!p0 $0x1BF5;
	p2 =	por !p2, p0  }
0x20: {  	[sflag:s8] =	ssyncset.s32 @!p0 $0xFFFFF086;
	s6 =	sadd.s32 @!p0 s3, s7;
	s7 =	simm.s32 @!p0 $0x108  }
0x21: {  	s3 =	sadd.s32 s3, s9;
	s6 =	sadd.s32 @!p0 $0x88, s6;
	s7 =	simm.s32 @p2 $0x1082  }
0x22: {  	[simem:s7], [sflag:s8] =	dma.local @!p0 [hbm:s6], $0xF7A  }
0x23: {  	s9 =	sor.u32 $0xD0000000, s2;
	s6 =	simm.s32 $0x108;
	_ =	swait.ge @!p0 [sflag:s8], $0x0  }
0x24: {  	s3 =	sadd.s32 $0x88, s3;
	s6 =	simm.s32 @!p1 $0x1082;
	[sflag:s4] =	ssyncset.s32 $0xFFFFF086  }
0x25: {  	[simem:s6], [sflag:s4] =	dma.local [hbm:s3], $0xF7A  }
0x26: {  	[smem:$0x3F96] =	sst s1;
	(tag) =	ssettag s2;
	_ =	strace s9  }
0x27: {  	s1 =	sld [smem:$0x3FA6]  }
0x28: {  	s2 =	sld [smem:$0x3FA7]  }
0x29: {  	s4 =	sld [smem:$0x3FA9]  }
0x2a: {  	p0 =	seq.s32 s5, $0x0;
	s5 =	sld [smem:$0x3FAA]  }
0x2b: {  	s6 =	sld [smem:$0x3FAB]  }
0x2c: {  	s7 =	sld [smem:$0x3FAC]  }
0x2d: {  	s3 =	simm.s32 $0x108;
	s8 =	sld [smem:$0x3FAD]  }
0x2e: {  	s3 =	simm.s32 @!p0 $0x1082;
	s9 =	sld [smem:$0x3FAE]  }
0x2f: {  	lr =	sadd.s32 s0, s3;
	s0 =	sld [smem:$0x3FA5]  }
0x30: {  	s3 =	sld [smem:$0x3FA8]  }
0x31: {  	[smem:$0x3FB1] =	sst s10  }
0x32: {  	s10 =	sld [smem:$0x3FAF];
	_ =	sdelay $0x3  }
0x33: {  	p0 =	seq.s32 s10, $0x1;
	s10 =	sld [smem:$0x3FB1];
	_ =	sdelay $0x3  }
0x34: {  	[smem:$0x3FB1] =	sst s10  }
0x35: {  	s10 =	sld [smem:$0x3FB0];
	_ =	sdelay $0x3  }
0x36: {  	p1 =	seq.s32 s10, $0x1;
	s10 =	sld [smem:$0x3FB1];
	_ =	sdelay $0x3  }
0x37: {  	[smem:$0x3FB1] =	sst s10  }
0x38: {  	s10 =	sld [smem:$0x3FB2]  }
0x39: {  	_ = 	snop;
	(pc) =	sbr.ind lr, $3  }
0x3a: {  	_ = 	snop  }
0x3b: {  	_ = 	snop  }
0x3c: {  	p2 =	seq.s32 s10, $0x1;
	s10 =	sld [smem:$0x3FB1]  }
0x3d: {  	_ =	shalt  }
0x3e: {  	_ =	shalt  }
0x3f: {  	_ =	shalt  }
0x40: {  	_ =	shalt  }
0x41: {  	_ =	shalt  }
0x42: {  	_ =	shalt  }
0x43: {  	_ =	shalt  }
0x44: {  	_ =	shalt  }
0x45: {  	_ =	shalt  }
0x46: {  	_ =	shalt  }
0x47: {  	_ =	shalt  }
0x48: {  	_ =	shalt  }
0x49: {  	_ =	shalt  }
0x4a: {  	_ =	shalt  }
0x4b: {  	_ =	shalt  }
0x4c: {  	_ =	shalt  }
0x4d: {  	_ =	shalt  }
0x4e: {  	_ =	shalt  }
0x4f: {  	_ =	shalt  }
0x50: {  	_ =	shalt  }
0x51: {  	_ =	shalt  }
0x52: {  	_ =	shalt  }
0x53: {  	_ =	shalt  }
0x54: {  	_ =	shalt  }
0x55: {  	_ =	shalt  }
0x56: {  	_ =	shalt  }
0x57: {  	_ =	shalt  }
0x58: {  	_ =	shalt  }
0x59: {  	_ =	shalt  }
0x5a: {  	_ =	shalt  }
0x5b: {  	_ =	shalt  }
0x5c: {  	_ =	shalt  }
0x5d: {  	_ =	shalt  }
0x5e: {  	_ =	shalt  }
0x5f: {  	_ =	shalt  }
0x60: {  	_ =	shalt  }
0x61: {  	_ =	shalt  }
0x62: {  	_ =	shalt  }
0x63: {  	_ =	shalt  }
0x64: {  	_ =	shalt  }
0x65: {  	_ =	shalt  }
0x66: {  	_ =	shalt  }
0x67: {  	_ =	shalt  }
0x68: {  	_ =	shalt  }
0x69: {  	_ =	shalt  }
0x6a: {  	_ =	shalt  }
0x6b: {  	_ =	shalt  }
0x6c: {  	_ =	shalt  }
0x6d: {  	_ =	shalt  }
0x6e: {  	_ =	shalt  }
0x6f: {  	_ =	shalt  }
0x70: {  	_ =	shalt  }
0x71: {  	_ =	shalt  }
0x72: {  	_ =	shalt  }
0x73: {  	_ =	shalt  }
0x74: {  	_ =	shalt  }
0x75: {  	_ =	shalt  }
0x76: {  	_ =	shalt  }
0x77: {  	_ =	shalt  }
0x78: {  	_ =	shalt  }
0x79: {  	_ =	shalt  }
0x7a: {  	_ =	shalt  }
0x7b: {  	_ =	shalt  }
0x7c: {  	_ =	shalt  }
0x7d: {  	_ =	shalt  }
0x7e: {  	_ =	shalt  }
0x7f: {  	_ =	shalt  }
0x80: {  	_ =	shalt  }
0x81: {  	_ =	shalt  }
0x82: {  	_ =	shalt  }
0x83: {  	_ =	shalt  }
0x84: {  	_ =	shalt  }
0x85: {  	_ =	shalt  }
0x86: {  	_ =	shalt  }
0x87: {  	_ =	shalt  }
.Lfunc_end0:
.L_simem_size_0:
called_computation_lowered:
.L_overlay_start_0:
0x88: {  	s2 =	sld [smem:$0x3FD9]  }
0x89: {  	s3 =	sld [smem:$0x3FFE];
	_ =	sdelay $0x1  }
0x8a: {  	s1 =	srdreg.scid  }
0x8b: {  	s0 =	sand.u32 $0x1, s1  }
0x8c: {  	s17 =	sshll.u32 s0, $0xA;
	s2 =	sadd.s32 s3, s2  }
0x8d: {  	s2 =	sadd.s32 s2, s17  }
0x8e: {  	[smem:$0x3FBD] =	sst s2  }
0x8f: {  	_ = 	snop  }
0x90: {  	s2 =	sld [smem:$0x3FD0];
	(tm) =	ssettm $0x1  }
0x91: {  	s18 =	sld [smem:$0x3FFB];
	_ =	sdelay $0x3  }
0x92: {  	_ =	strace s18  }
0x93: {  	s3 =	sld [smem:$0x3FFC];
	_ =	sdelay $0x3  }
0x94: {  	_ =	strace s3  }
0x95: {  	s3 =	sld [smem:$0x3FFD];
	_ =	sdelay $0x3  }
0x96: {  	_ =	strace s3  }
0x97: {  	_ =	strace $0x8FFFFFFF  }
0x98: {  	s19 =	sld [smem:$0x3FDB];
	_ =	sdelay $0x1  }
0x99: {  	s4 =	simm.s32 $_scs_section_size  }
0x9a: {  	s5 =	simm.s32 $_size__tile_overlayer_lowered;
	s6 =	simm.s32 $_tile_overlayer_lowered  }
0x9b: {  	s22 =	simm.s32 $0x1BFF;
	s21 =	sshll.u32 s6, $0x1;
	s3 =	sadd.s32 s4, s19  }
0x9c: {  	s7 =	simm.s32 $0x0;
	s20 =	sshll.u32 s5, $0x1;
	s5 =	sadd.s32 s21, s3  }
0x9d: {  	[timem:s7], [sflag:s22] =	dma.local [hbm:s5], s20  }
0x9e: {  	_ =	swait.ge [sflag:s22], s20  }
0x9f: {  	s4 =	ssub.s32 $0x0, s20;
	[sflag:s22] =	ssyncset.done $0x0  }
0xa0: {  	[sflag:s22] =	ssyncadd.s32 s4;
	_ =	sdelay $0x1  }
0xa1: {  	s23 =	simm.s32 $0x1B8B  }
0xa2: {  	_ =	swait.ge [sflag:s23], $0x1  }
0xa3: {  	[sflag:s23] =	ssyncset.done $0x0  }
0xa4: {  	s25 =	simm.s32 $0x1B8E;
	s24 =	sld [smem:$0x3FFE];
	[sflag:s23] =	ssyncadd.s32 $0xFFFFFFFF  }
0xa5: {  	s26 =	simm.s32 $execute0_lowered;
	[smem:$0x3FD2] =	sst s25  }
0xa6: {  	s5 =	sshll.u32 s26, $0x1;
	_ =	strace $0x80000046;
	[dreg:$0x1] =	wrdreg $0xFFFFFFFF  }
0xa7: {  	s28 =	simm.s32 $_size_execute0_lowered;
	s3 =	sadd.s32 s3, s5;
	[dreg:$0x0] =	wrdreg $0x0  }
0xa8: {  	s5 =	sshll.u32 s28, $0x1;
	[dreg:$0x2] =	wrdreg s3  }
0xa9: {  	[dreg:$0x3] =	wrdreg s5  }
0xaa: {  	[dreg:$0x4] =	wrdreg $0xC0  }
0xab: {  	_ =	task [dreg:s7], $0x5FFFF  }
0xac: {  	[dreg:$0x1] =	wrdreg $0xFFFFFFFF  }
0xad: {  	[dreg:$0x0] =	wrdreg $0x60  }
0xae: {  	[dreg:$0x2] =	wrdreg s24  }
0xaf: {  	[dreg:$0x3] =	wrdreg s2  }
0xb0: {  	[dreg:$0x4] =	wrdreg $0x0  }
0xb1: {  	[dreg:$0x5] =	wrdreg $0x9  }
0xb2: {  	_ =	task.clear_ibuf [dreg:s7], $0x6FFFF;
	_ =	strace $0x90000046  }
0xb3: {  	s29 =	simm.s32 $0x9;
	_ =	strace $0x80000048  }
0xb4: {  	_ =	swait.ge [sflag:s29], $0x1  }
0xb5: {  	[sflag:s29] =	ssyncadd.s32 $0xFFFFFFFF  }
0xb6: {  	_ =	strace $0x90000048  }
0xb7: {  	_ =	sfence  }
0xb8: {  	s30 =	sld [smem:$0x0];
	_ =	sdelay $0x2  }
0xb9: {  	s31 =	sshll.u32 s1, $0xD;
	s1 =	sshrl.u32 s1, $0x2  }
0xba: {  	s3 =	sand.u32 $0x4000, s31;
	s1 =	sadd.s32 s1, s30  }
0xbb: {  	s0 =	sor.u32 s3, s0;
	s1 =	sshll.u32 s1, $0x11  }
0xbc: {  	s0 =	sor.u32 s1, s0  }
0xbd: {  	s0 =	sadd.s32 $0x8F2B, s0  }
0xbe: {  	[sflag:s0] =	ssyncadd.remote.s32 $0x1  }
0xbf: {  	_ =	sfence.sel $0xFFFF  }
0xc0: {  	[dreg:$0x0] =	wrdreg $0xFFFFFFFF;
	(pc) =	sbr.abs _section_cstart, $3  }
0xc1: {  	[dreg:$0x1] =	wrdreg $0xFFFFFFFF  }
0xc2: {  	_ =	task.clear_ibuf [dreg:s7], $0x2FFFF;
	_ =	strace $0x9FFFFFFF  }
0xc3: {  	(tm) =	ssettm $0x7FFFFFFF  }
tec
execute0_lowered:
.L_overlay_start_1:
0x0: {  	(tag) =	ssettag $0x1  }
0x1: {  	s4 =	rddreg [dreg:$0x0]  }
0x2: {  	s6 =	rddreg [dreg:$0x1]  }
0x3: {  	s0 =	srdreg.scid;
	s2 =	rddreg [dreg:$0x2]  }
0x4: {  	s1 =	stileid.u32;
	s12 =	simm.s32 $0x2;
	s13 =	simm.s32 $0x80  }
0x5: {  	s14 =	simm.s32 $0x2C80;
	s15 =	simm.s32 $0x0;
	s10 =	smul.u32 $0x4E, s1  }
0x6: {  	s5 =	sand.u32 $0x1, s0;
	s0 =	rddreg [dreg:$0x3];
	s29 =	smul.u32 $0x280, s1  }
0x7: {  	s3 =	sshll.u32 s5, $0x4;
	s8 =	smul.u32 $0x4E0, s5;
	s30 =	ssub.s32 $0x2, s5  }
0x8: {  	s5 =	smul.u32 $0x2800, s5;
	s7 =	sor.u32 s1, s3;
	s3 =	simm.s32 $0x0  }
0x9: {  	s11 =	sshrl.u32 s30, $0x1;
	s9 =	smin.u32 s7, $0x4;
	[smem:$0x7FF] =	sst s3  }
0xa: {  	s5 =	sadd.s32 s29, s5;
	p0 =	slt.u32 s7, $0x4;
	s8 =	sor.u32 s8, s9  }
0xb: {  	_ =	strace $0x80000047;
	s31 =	sshrl.u32 s5, $0x3;
	s8 =	sadd.s32 s10, s8  }
0xc: {  	s5 =	sadd.s32 s29, s2;
	s10 =	ssub.s32 s30, s11;
	s8 =	sshll.u32 s8, $0x4  }
0xd: {  	s6 =	sadd.s32 s6, s31;
	s8 =	sadd.s32 s8, s4;
	s4 =	simm.s32 $0x4F  }
0xe: {  	s11 =	simm.s32 $0x2A00;
	s7 =	smax.u32 s10, $0x1;
	s4 =	simm.s32 @!p0 $0x4E  }
0xf: {  	v0 =	vimm.f32 $0.0e+00;
	v1 =	vimm.f32 $1.000000000e+00;
	s10 =	simm.s32 $0x1;
	s8 =	sadd.s32 $0xBE40, s8;
	s9 =	sadd.s32 $0xFFFFFFB4, s4  }
.LBB2_1:
0x10: {  	p0 =	sne.s32 s4, $0x1  }
.Ltmp0:
0x11: {  	_ = 	snop;
	(pc) =	sbr.rel @!p0 .LBB2_3-.Ltmp0, $3  }
0x12: {  	_ =	sdelay $0x1  }
0x13: {  	s16 =	simm.s32 $0x280;
	s17 =	sadd.s32 $0xFFFFFFFF, s4;
	s18 =	smov.u32 s8  }
0x14: {  	[tilespmem:s16], [sflag:$0x1] =	stream.linear.gather [hbm4b:s8+s3], $0x80, $0x38;
	[tilespmem:$0x2D00] =	vst v63  }
.LBB2_2:
0x15: {  	p1 =	sne.s32 s17, $0x1  }
.Ltmp1:
0x16: {  	_ = 	snop;
	(pc) =	sbr.rel @p1 .LBB2_2-.Ltmp1, $4  }
0x17: {  	_ = 	snop  }
0x18: {  	s16 =	sadd.s32 $0x80, s16;
	s18 =	sadd.s32 $0x10, s18  }
0x19: {  	s17 =	sadd.s32 $0xFFFFFFFF, s17  }
0x1a: {  	[tilespmem:s16], [sflag:$0x1] =	stream.linear.gather [hbm4b:s18+s3], $0x80, $0x38;
	[tilespmem:$0x2D00] =	vst v63  }
.LBB2_3:
.Ltmp2:
0x1b: {  	(pc) =	sbr.rel @!p0 .LBB2_5-.Ltmp2, $3  }
0x1c: {  	_ =	sdelay $0x1  }
0x1d: {  	_ =	swait.ge [sflag:s10], $0x80  }
0x1e: {  	s16 =	sadd.s32 $0xFFFFFFFF, s4;
	[sflag:s10] =	ssyncset.done $0x0  }
.LBB2_4:
0x1f: {  	p0 =	sne.s32 s16, $0x1;
	s16 =	sadd.s32 $0xFFFFFFFF, s16;
	[sflag:s10] =	ssyncadd.s32 $0xFFFFFF80  }
.Ltmp3:
0x20: {  	(pc) =	sbr.rel @p0 .LBB2_4-.Ltmp3, $3  }
0x21: {  	_ =	sdelay $0x1  }
0x22: {  	_ =	swait.ge [sflag:s10], $0x80  }
0x23: {  	[sflag:s10] =	ssyncset.done $0x0  }
.LBB2_5:
0x24: {  	[sflag:s10] =	ssyncadd.s32 $0xFFFFFF80  }
0x25: {  	[tilespmem:$0x2A00] =	vst v0  }
0x26: {  	[tilespmem:$0x2A10] =	vst v0  }
0x27: {  	[tilespmem:$0x2A20] =	vst v0  }
0x28: {  	[tilespmem:$0x2A30] =	vst v0  }
0x29: {  	[tilespmem:$0x2A40] =	vst v0  }
0x2a: {  	[tilespmem:$0x2A50] =	vst v0  }
0x2b: {  	[tilespmem:$0x2A60] =	vst v0  }
0x2c: {  	[tilespmem:$0x2A70] =	vst v0  }
0x2d: {  	[tilespmem:$0x2A80] =	vst v0  }
0x2e: {  	[tilespmem:$0x2A90] =	vst v0  }
0x2f: {  	[tilespmem:$0x2AA0] =	vst v0  }
0x30: {  	[tilespmem:$0x2AB0] =	vst v0  }
0x31: {  	[tilespmem:$0x2AC0] =	vst v0  }
0x32: {  	[tilespmem:$0x2AD0] =	vst v0  }
0x33: {  	[tilespmem:$0x2AE0] =	vst v0  }
0x34: {  	[tilespmem:$0x2AF0] =	vst v0  }
0x35: {  	[tilespmem:$0x2B00] =	vst v0  }
0x36: {  	[tilespmem:$0x2B10] =	vst v0  }
0x37: {  	[tilespmem:$0x2B20] =	vst v0  }
0x38: {  	[tilespmem:$0x2B30] =	vst v0  }
0x39: {  	[tilespmem:$0x2B40] =	vst v0  }
0x3a: {  	[tilespmem:$0x2B50] =	vst v0  }
0x3b: {  	[tilespmem:$0x2B60] =	vst v0  }
0x3c: {  	[tilespmem:$0x2B70] =	vst v0  }
0x3d: {  	[tilespmem:$0x2B80] =	vst v0  }
0x3e: {  	[tilespmem:$0x2B90] =	vst v0  }
0x3f: {  	[tilespmem:$0x2BA0] =	vst v0  }
0x40: {  	[tilespmem:$0x2BB0] =	vst v0  }
0x41: {  	[tilespmem:$0x2BC0] =	vst v0  }
0x42: {  	[tilespmem:$0x2BD0] =	vst v0  }
0x43: {  	[tilespmem:$0x2BE0] =	vst v0  }
0x44: {  	[tilespmem:$0x2BF0] =	vst v0  }
0x45: {  	[tilespmem:$0x2C00] =	vst v0  }
0x46: {  	[tilespmem:$0x2C10] =	vst v0  }
0x47: {  	[tilespmem:$0x2C20] =	vst v0  }
0x48: {  	[tilespmem:$0x2C30] =	vst v0  }
0x49: {  	[tilespmem:$0x2C40] =	vst v0  }
0x4a: {  	[tilespmem:$0x2C50] =	vst v0  }
0x4b: {  	[tilespmem:$0x2C60] =	vst v0  }
0x4c: {  	[tilespmem:$0x2C70] =	vst v0  }
0x4d: {  	[tilespmem:$0x2C80] =	vst v1  }
0x4e: {  	[tilespmem:$0x2C90] =	vst v1  }
0x4f: {  	[tilespmem:$0x2CA0] =	vst v1  }
0x50: {  	[tilespmem:$0x2CB0] =	vst v1  }
0x51: {  	[tilespmem:$0x2CC0] =	vst v1  }
0x52: {  	[tilespmem:$0x2CD0] =	vst v1  }
0x53: {  	[tilespmem:$0x2CE0] =	vst v1  }
0x54: {  	[tilespmem:$0x2CF0] =	vst v1  }
0x55: {  	[spmem:s5] =	stream.linear.scatter [tilespmem:s11], [sflag:$0x2], $0x280, $0x38;
	[tilespmem:$0x2D00] =	vst v63  }
0x56: {  	_ =	swait.ge [sflag:s12], $0x280  }
0x57: {  	[sflag:s12] =	ssyncset.done $0x0  }
0x58: {  	[sflag:s12] =	ssyncadd.s32 $0xFFFFFD80  }
0x59: {  	s16 =	simm.s32 $0x280;
	[bflag:$0x0] =	sbarrier.arrive $0xFFFF  }
0x5a: {  	[spmem:s2] =	stream.indirect.scatter.add.f32 [tilespmem:s14], [sflag:$0x1], $0x1, s16, s13, $0xb8;
	[tilespmem:$0x2D00] =	vst v63  }
0x5b: {  	s29 =	simm.s32 $0x300  }
0x5c: {  	[spmem:s2] =	stream.indirect.scatter.add.f32 [tilespmem:s14], [sflag:$0x1], $0x1, s29, s13, $0xb8;
	[tilespmem:$0x2D00] =	vst v63  }
0x5d: {  	s30 =	simm.s32 $0x380  }
0x5e: {  	[spmem:s2] =	stream.indirect.scatter.add.f32 [tilespmem:s14], [sflag:$0x1], $0x1, s30, s13, $0xb8;
	[tilespmem:$0x2D00] =	vst v63  }
0x5f: {  	s31 =	simm.s32 $0x400  }
0x60: {  	[spmem:s2] =	stream.indirect.scatter.add.f32 [tilespmem:s14], [sflag:$0x1], $0x1, s31, s13, $0xb8;
	[tilespmem:$0x2D00] =	vst v63  }
0x61: {  	_ =	swait.ge [sflag:s10], $0x80  }
0x62: {  	[sflag:s10] =	ssyncset.done $0x0  }
0x63: {  	[sflag:s10] =	ssyncadd.s32 $0xFFFFFF80  }
0x64: {  	_ =	swait.ge [sflag:s10], $0x80  }
0x65: {  	[sflag:s10] =	ssyncset.done $0x0  }
0x66: {  	[sflag:s10] =	ssyncadd.s32 $0xFFFFFF80  }
0x67: {  	_ =	swait.ge [sflag:s10], $0x80  }
0x68: {  	[sflag:s10] =	ssyncset.done $0x0  }
0x69: {  	[sflag:s10] =	ssyncadd.s32 $0xFFFFFF80  }
0x6a: {  	_ =	swait.ge [sflag:s10], $0x80  }
0x6b: {  	s17 =	simm.s32 $0x1000;
	s16 =	simm.s32 $0x200;
	[sflag:s10] =	ssyncset.done $0x0  }
.LBB2_6:
0x6c: {  	s18 =	sadd.s32 $0x280, s16  }
0x6d: {  	[sflag:s10] =	ssyncadd.s32 $0xFFFFFF80;
	s19 =	smov.u32 s17;
	s20 =	sadd.s32 $0x800, s17  }
0x6e: {  	[spmem:s2] =	stream.indirect.scatter.add.f32 [tilespmem:s14], [sflag:$0x1], $0x1, s18, s13, $0xb8;
	[tilespmem:$0x2D00] =	vst v63  }
0x6f: {  	p0 =	sne.s32 s17, $0x9000;
	s17 =	sadd.s32 $0x300, s16  }
0x70: {  	[spmem:s2] =	stream.indirect.scatter.add.f32 [tilespmem:s14], [sflag:$0x1], $0x1, s17, s13, $0xb8;
	[tilespmem:$0x2D00] =	vst v63  }
0x71: {  	s17 =	sadd.s32 $0x380, s16  }
0x72: {  	[spmem:s2] =	stream.indirect.scatter.add.f32 [tilespmem:s14], [sflag:$0x1], $0x1, s17, s13, $0xb8;
	[tilespmem:$0x2D00] =	vst v63  }
0x73: {  	s16 =	sadd.s32 $0x400, s16  }
0x74: {  	[spmem:s2] =	stream.indirect.scatter.add.f32 [tilespmem:s14], [sflag:$0x1], $0x1, s16, s13, $0xb8;
	[tilespmem:$0x2D00] =	vst v63  }
0x75: {  	_ =	swait.ge [sflag:s10], $0x80  }
0x76: {  	[sflag:s10] =	ssyncset.done $0x0  }
0x77: {  	[sflag:s10] =	ssyncadd.s32 $0xFFFFFF80  }
0x78: {  	_ =	swait.ge [sflag:s10], $0x80  }
0x79: {  	[sflag:s10] =	ssyncset.done $0x0  }
0x7a: {  	[sflag:s10] =	ssyncadd.s32 $0xFFFFFF80  }
.Ltmp4:
0x7b: {  	_ =	swait.ge [sflag:s10], $0x80;
	(pc) =	sbr.rel @p0 .LBB2_6-.Ltmp4, $4  }
0x7c: {  	[sflag:s10] =	ssyncset.done $0x0  }
0x7d: {  	[sflag:s10] =	ssyncadd.s32 $0xFFFFFF80  }
0x7e: {  	_ =	swait.ge [sflag:s10], $0x80  }
0x7f: {  	s17 =	smov.u32 s20;
	s16 =	sshra.s32 s19, $0x2;
	[sflag:s10] =	ssyncset.done $0x0  }
0x80: {  	s17 =	sadd.s32 $0x280, s16;
	[sflag:s10] =	ssyncadd.s32 $0xFFFFFF80  }
0x81: {  	[spmem:s2] =	stream.indirect.scatter.add.f32 [tilespmem:s14], [sflag:$0x1], $0x1, s17, s13, $0xb8;
	[tilespmem:$0x2D00] =	vst v63  }
0x82: {  	s29 =	sadd.s32 $0x300, s16  }
0x83: {  	[spmem:s2] =	stream.indirect.scatter.add.f32 [tilespmem:s14], [sflag:$0x1], $0x1, s29, s13, $0xb8;
	[tilespmem:$0x2D00] =	vst v63  }
0x84: {  	s30 =	sadd.s32 $0x380, s16  }
0x85: {  	[spmem:s2] =	stream.indirect.scatter.add.f32 [tilespmem:s14], [sflag:$0x1], $0x1, s30, s13, $0xb8;
	[tilespmem:$0x2D00] =	vst v63  }
0x86: {  	s31 =	sadd.s32 $0x400, s16  }
0x87: {  	[spmem:s2] =	stream.indirect.scatter.add.f32 [tilespmem:s14], [sflag:$0x1], $0x1, s31, s13, $0xb8;
	[tilespmem:$0x2D00] =	vst v63  }
0x88: {  	_ =	swait.ge [sflag:s10], $0x80  }
0x89: {  	[sflag:s10] =	ssyncset.done $0x0  }
0x8a: {  	[sflag:s10] =	ssyncadd.s32 $0xFFFFFF80  }
0x8b: {  	_ =	swait.ge [sflag:s10], $0x80  }
0x8c: {  	[sflag:s10] =	ssyncset.done $0x0  }
0x8d: {  	[sflag:s10] =	ssyncadd.s32 $0xFFFFFF80  }
0x8e: {  	_ =	swait.ge [sflag:s10], $0x80  }
0x8f: {  	[sflag:s10] =	ssyncset.done $0x0  }
0x90: {  	[sflag:s10] =	ssyncadd.s32 $0xFFFFFF80  }
0x91: {  	p0 =	sne.s32 s9, $0x1;
	_ =	swait.ge [sflag:s10], $0x80  }
.Ltmp5:
0x92: {  	[sflag:s10] =	ssyncset.done $0x0;
	(pc) =	sbr.rel @!p0 .LBB2_9-.Ltmp5, $4  }
0x93: {  	s16 =	simm.s32 $0x2880;
	[sflag:s10] =	ssyncadd.s32 $0xFFFFFF80  }
0x94: {  	[spmem:s2] =	stream.indirect.scatter.add.f32 [tilespmem:s14], [sflag:$0x2], $0x1, s16, s13, $0xb8;
	[tilespmem:$0x2D00] =	vst v63  }
0x95: {  	_ =	swait.ge [sflag:s12], $0x80  }
0x96: {  	s17 =	sadd.s32 $0xFFFFFFFF, s9;
	[sflag:s12] =	ssyncset.done $0x0  }
.LBB2_8:
0x97: {  	p0 =	sne.s32 s17, $0x1;
	[sflag:s12] =	ssyncadd.s32 $0xFFFFFF80;
	s16 =	sadd.s32 $0x80, s16  }
.Ltmp6:
0x98: {  	s17 =	sadd.s32 $0xFFFFFFFF, s17;
	(pc) =	sbr.rel @p0 .LBB2_8-.Ltmp6, $4  }
0x99: {  	_ = 	snop  }
0x9a: {  	[spmem:s2] =	stream.indirect.scatter.add.f32 [tilespmem:s14], [sflag:$0x2], $0x1, s16, s13, $0xb8;
	[tilespmem:$0x2D00] =	vst v63  }
0x9b: {  	_ =	swait.ge [sflag:s12], $0x80  }
0x9c: {  	[sflag:s12] =	ssyncset.done $0x0  }
.LBB2_9:
0x9d: {  	[sflag:s12] =	ssyncadd.s32 $0xFFFFFF80;
	s15 =	sadd.s32 $0x1, s15  }
0x9e: {  	s16 =	sshll.u32 s1, $0x6;
	s17 =	sshrl.u32 s5, $0x3;
	p0 =	sne.s32 s15, s7  }
.Ltmp7:
0x9f: {  	[bflag:$0x0] =	sbarrier.arrive $0xFFFF;
	s16 =	sor.u32 $0x1C02, s16;
	(pc) =	sbr.rel @p0 .LBB2_1-.Ltmp7, $4  }
0xa0: {  	[hbm:s6], [sflag:s16] =	dma.local [spmem:s17], $0x50  }
0xa1: {  	_ =	swait.ge [sflag:s12], $0x50  }
0xa2: {  	[sflag:s12] =	ssyncset.done $0x0  }
0xa3: {  	[sflag:s12] =	ssyncadd.s32 $0xFFFFFFB0  }
0xa4: {  	_ =	sfence.sel $0x180000  }
0xa5: {  	[bflag:$0x0] =	sbarrier.arrive $0xFFFF  }
0xa6: {  	p0 =	sne.s32 s1, $0x0;
	_ =	strace $0x90000047  }
0xa7: {  	s0 =	sadd.s32 @!p0 $0x100000, s0;
	[bflag:$0x2] =	sbarrier.arrive $0xFFFF  }
0xa8: {  	[sflag:s0] =	ssyncadd.tile.s32 @!p0 $0x1;
	_ =	shalt  }
.Lfunc_end2:
_tile_overlayer_lowered:
.L_overlay_start_2:
0xa9: {  	(tag) =	ssettag $0x2  }
0xaa: {  	s0 =	rddreg [dreg:$0x0];
	s2 =	stileid.u32  }
0xab: {  	s1 =	rddreg [dreg:$0x1];
	p0 =	sne.s32 s2, $0x0  }
0xac: {  	s3 =	rddreg [dreg:$0x2];
	[bflag:$0x3] =	sbarrier.arrive $0xFFFF;
	s2 =	simm.s32 @!p0 $0x1C02  }
0xad: {  	[timem:s3], [sflag:s2] =	dma.local @!p0 [hbm:s0], s1  }
0xae: {  	s0 =	simm.s32 @!p0 $0x2  }
0xaf: {  	_ =	swait.ge @!p0 [sflag:s0], s1  }
0xb0: {  	s1 =	ssub.s32 @!p0 $0x0, s1;
	[sflag:s0] =	ssyncset.done @!p0 $0x0  }
0xb1: {  	[sflag:s0] =	ssyncadd.s32 @!p0 s1  }
0xb2: {  	[bflag:$0x3] =	sbarrier.arrive $0xFFFF  }
0xb3: {  	_ =	shalt  }

</sc_bundles>
